<compile_context>
chip_gen: v7x
topology: tpu7x:2x2x1
jax: 0.10.2.dev20260603
libtpu: 0.0.44.dev20260713+nightly
codegen_flags: <defaults>
</compile_context>

<pallas_src>
import functools

import numpy as np

import jax
import jax.numpy as jnp
from jax import lax
from jax.experimental import pallas as pl
from jax.experimental.pallas import tpu as pltpu
from jax.experimental.pallas import tpu_sc as plsc

TOP_K = 48
NUM_RBF = 16
MAX_REL = 32

_N, _CA, _C, _O, _CB, _RIDX = 0, 3, 6, 9, 12, 15
_PAIRS = [(_CA, _CA), (_N, _N), (_C, _C), (_O, _O), (_CB, _CB),
          (_CA, _N), (_CA, _C), (_CA, _O), (_CA, _CB), (_N, _C),
          (_N, _O), (_N, _CB), (_CB, _C), (_CB, _O), (_O, _C),
          (_N, _CA), (_C, _CA), (_O, _CA), (_CB, _CA), (_C, _N),
          (_O, _N), (_CB, _N), (_C, _CB), (_O, _CB), (_C, _O)]


def _atoms_kernel(x_ref, ridx_ref, out_ref):
    x = x_ref[...]
    nx, ny, nz = x[:, 0:1], x[:, 1:2], x[:, 2:3]
    cax, cay, caz = x[:, 3:4], x[:, 4:5], x[:, 5:6]
    cx, cy, cz = x[:, 6:7], x[:, 7:8], x[:, 8:9]
    bx, by, bz = cax - nx, cay - ny, caz - nz
    ccx, ccy, ccz = cx - cax, cy - cay, cz - caz
    ax = by * ccz - bz * ccy
    ay = bz * ccx - bx * ccz
    az = bx * ccy - by * ccx
    cbx = -0.58273431 * ax + 0.56802827 * bx - 0.54067466 * ccx + cax
    cby = -0.58273431 * ay + 0.56802827 * by - 0.54067466 * ccy + cay
    cbz = -0.58273431 * az + 0.56802827 * bz - 0.54067466 * ccz + caz
    out_ref[:, 0:12] = x
    out_ref[:, 12:13] = cbx
    out_ref[:, 13:14] = cby
    out_ref[:, 14:15] = cbz
    out_ref[:, 15:16] = ridx_ref[...]


def _topk_kernel(carows_ref, caT_ref, mrow_ref, mcol_ref, out_ref):
    caT = caT_ref[0]
    cr = carows_ref[...]
    d2 = None
    for c in range(3):
        diff = cr[:, c:c + 1] - caT[c:c + 1, :]
        sq = diff * diff
        d2 = sq if d2 is None else d2 + sq
    m2 = mrow_ref[...] * mcol_ref[0]
    dist = m2 * jnp.sqrt(d2 + 1e-6)
    dmax = jnp.max(dist, axis=1, keepdims=True)
    vals = dist + (1.0 - m2) * dmax
    iota = lax.broadcasted_iota(jnp.int32, vals.shape, 1).astype(jnp.float32)
    L = vals.shape[1]
    cols = []
    for _ in range(TOP_K):
        mn = jnp.min(vals, axis=1, keepdims=True)
        sel = vals <= mn
        idxf = jnp.min(jnp.where(sel, iota, float(2 * L)), axis=1,
                       keepdims=True)
        cols.append(idxf)
        vals = jnp.where(iota == idxf, 3.0e38, vals)
    idx_all = jnp.concatenate(cols, axis=1)
    out_ref[...] = idx_all.astype(jnp.int32) + pl.program_id(0) * L


def _sc_gather(table, idx, D):
    Bn = idx.shape[0]
    info = plsc.get_sparse_core_info()
    NW = info.num_cores * info.num_subcores
    b_per_w = Bn // NW

    @functools.partial(
        pl.kernel,
        mesh=plsc.VectorSubcoreMesh(core_axis_name="c", subcore_axis_name="s"),
        compiler_params=pltpu.CompilerParams(use_tc_tiling_on_sc=False),
        out_type=jax.ShapeDtypeStruct((Bn, D), jnp.float32),
        scratch_types=[
            pltpu.VMEM((b_per_w,), jnp.int32),
            pltpu.VMEM((b_per_w, D), jnp.float32),
            pltpu.SemaphoreType.DMA,
        ],
    )
    def k(table_hbm, idx_hbm, out_hbm, idx_v, rows_v, sem):
        wid = lax.axis_index("s") * info.num_cores + lax.axis_index("c")
        base = wid * b_per_w
        pltpu.sync_copy(idx_hbm.at[pl.ds(base, b_per_w)], idx_v)
        pltpu.async_copy(table_hbm.at[idx_v], rows_v, sem).wait()
        pltpu.sync_copy(rows_v, out_hbm.at[pl.ds(base, b_per_w)])

    return k(table, idx)


def _edge_kernel(nb_ref, rows_ref, wpeT_ref, bpe_ref, sa_ref, sb_ref,
                 gs_ref, ex_ref, mu400_ref, wedgeT_ref, gam_ref, bet_ref,
                 out_ref):
    T = rows_ref.shape[0]
    E = nb_ref.shape[0]
    nb = nb_ref[...]
    ie = lax.broadcasted_iota(jnp.int32, (E, T), 0)
    ir = lax.broadcasted_iota(jnp.int32, (E, T), 1) * TOP_K
    rep = jnp.where((ie >= ir) & (ie < ir + TOP_K), 1.0, 0.0)
    center = jnp.dot(rep, rows_ref[...],
                     preferred_element_type=jnp.float32,
                     precision=lax.Precision.HIGHEST)
    dcls = jnp.clip(center[:, _RIDX:_RIDX + 1] - nb[:, _RIDX:_RIDX + 1]
                    + float(MAX_REL), 0.0, float(2 * MAX_REL))
    iota66 = lax.broadcasted_iota(jnp.int32, (E, 2 * MAX_REL + 2),
                                  1).astype(jnp.float32)
    oh66 = jnp.where((iota66 > dcls - 0.5) & (iota66 < dcls + 0.5), 1.0, 0.0)
    pos = jnp.dot(oh66, wpeT_ref[...],
                  preferred_element_type=jnp.float32,
                  precision=lax.Precision.HIGHEST) + bpe_ref[...]
    sigma = (22.0 - 2.0) / NUM_RBF
    hp = lambda a, b: jnp.dot(a, b, preferred_element_type=jnp.float32,
                              precision=lax.Precision.HIGHEST)
    ca75 = hp(center, sa_ref[...])
    nb75 = hp(nb, sb_ref[...])
    diff = ca75 - nb75
    d2 = hp(diff * diff, gs_ref[...])
    dist = jnp.sqrt(d2 + 1e-6)
    d400 = hp(dist, ex_ref[...])
    z = (d400 - mu400_ref[...]) / sigma
    rbf = jnp.exp(-(z * z))
    feats = jnp.concatenate([pos, rbf], axis=1)
    e_out = jnp.dot(feats, wedgeT_ref[...],
                    preferred_element_type=jnp.float32)
    m = jnp.mean(e_out, axis=1, keepdims=True)
    var = jnp.mean((e_out - m) ** 2, axis=1, keepdims=True)
    out_ref[...] = ((e_out - m) / jnp.sqrt(var + 1e-5)
                    * gam_ref[...] + bet_ref[...])


def kernel(X, mask, residue_idx, W_pe, b_pe, W_edge, ln_gamma, ln_beta):
    B, L = X.shape[0], X.shape[1]
    K = min(TOP_K, L)
    BL = B * L
    EF = W_edge.shape[0]

    x_flat = X.reshape(BL, 12)
    ridx_f = residue_idx.astype(jnp.float32).reshape(BL, 1)
    atoms = pl.pallas_call(
        _atoms_kernel,
        out_shape=jax.ShapeDtypeStruct((BL, 16), jnp.float32),
    )(x_flat, ridx_f)

    TT = 128
    nblk = L // TT
    ca_rows = X[:, :, 1, :].reshape(BL, 3)
    caT = jnp.transpose(X[:, :, 1, :], (0, 2, 1))
    mask_row = mask.reshape(BL, 1)
    mask_col = mask.reshape(B, 1, L)
    eidx = pl.pallas_call(
        _topk_kernel,
        grid=(B, nblk),
        in_specs=[
            pl.BlockSpec((TT, 3), lambda b, t: (b * nblk + t, 0)),
            pl.BlockSpec((1, 3, L), lambda b, t: (b, 0, 0)),
            pl.BlockSpec((TT, 1), lambda b, t: (b * nblk + t, 0)),
            pl.BlockSpec((1, 1, L), lambda b, t: (b, 0, 0)),
        ],
        out_specs=pl.BlockSpec((TT, K), lambda b, t: (b * nblk + t, 0)),
        out_shape=jax.ShapeDtypeStruct((BL, K), jnp.int32),
    )(ca_rows, caT, mask_row, mask_col)

    nb_flat = _sc_gather(atoms, eidx.reshape(BL * K), 16)

    T = 16
    EB = T * K
    nblk2 = L // T
    wpeT = W_pe.T
    bpe2 = b_pe.reshape(1, -1)
    npair = len(_PAIRS)
    sa = np.zeros((16, 3 * npair), np.float32)
    sb = np.zeros((16, 3 * npair), np.float32)
    gs = np.zeros((3 * npair, npair), np.float32)
    ex = np.zeros((npair, npair * NUM_RBF), np.float32)
    for p, (ao, bo) in enumerate(_PAIRS):
        for c in range(3):
            sa[ao + c, 3 * p + c] = 1.0
            sb[bo + c, 3 * p + c] = 1.0
            gs[3 * p + c, p] = 1.0
        ex[p, p * NUM_RBF:(p + 1) * NUM_RBF] = 1.0
    sa, sb, gs, ex = map(jnp.asarray, (sa, sb, gs, ex))
    mu400 = jnp.tile(jnp.linspace(2.0, 22.0, NUM_RBF),
                     npair).reshape(1, npair * NUM_RBF)
    wedgeT = W_edge.T
    gam2 = ln_gamma.reshape(1, -1)
    bet2 = ln_beta.reshape(1, -1)
    full = lambda s: pl.BlockSpec(s, lambda b, t: tuple(0 for _ in s))
    e_flat = pl.pallas_call(
        _edge_kernel,
        grid=(B, nblk2),
        in_specs=[
            pl.BlockSpec((EB, 16), lambda b, t: (b * nblk2 + t, 0)),
            pl.BlockSpec((T, 16), lambda b, t: (b * nblk2 + t, 0)),
            full(wpeT.shape),
            full(bpe2.shape),
            full(sa.shape),
            full(sb.shape),
            full(gs.shape),
            full(ex.shape),
            full(mu400.shape),
            full(wedgeT.shape),
            full(gam2.shape),
            full(bet2.shape),
        ],
        out_specs=pl.BlockSpec((EB, EF), lambda b, t: (b * nblk2 + t, 0)),
        out_shape=jax.ShapeDtypeStruct((BL * K, EF), jnp.float32),
    )(nb_flat, atoms, wpeT, bpe2, sa, sb, gs, ex, mu400,
      wedgeT, gam2, bet2)
    return e_flat.reshape(B, L, K, EF)

# --- scband reference (transcript-rebuilt; emitter-appended) ---
"""Pipeline reference for scband-protein-features-25211458027662 (READ-ONLY COPY).

The authoritative reference and input builder live on the scoring server;
editing this copy changes nothing except your own understanding.
"""

import jax, jax.numpy as jnp
import numpy as np

B, L, TOP_K, NUM_RBF, MAX_REL = 4, 1024, 48, 16, 32
EDGE_FEATURES, NUM_POS = 128, 16
EDGE_IN = NUM_POS + NUM_RBF * 25


def setup_inputs(seed: int = 0) -> dict:
    key = jax.random.key(seed)
    ks = jax.random.split(key, 6)
    X = jax.random.normal(ks[0], (B, L, 4, 3), dtype=jnp.float32)
    mask = jnp.ones((B, L), dtype=jnp.float32)
    residue_idx = jnp.arange(B * L, dtype=jnp.int64 if jax.config.read('jax_enable_x64') else jnp.int32).reshape(B, L)
    W_pe = jax.random.normal(ks[1], (NUM_POS, 2 * MAX_REL + 2), dtype=jnp.float32) * 0.1
    b_pe = jnp.zeros((NUM_POS,), dtype=jnp.float32)
    W_edge = jax.random.normal(ks[2], (EDGE_FEATURES, EDGE_IN), dtype=jnp.float32) * 0.05
    ln_gamma = jnp.ones((EDGE_FEATURES,), dtype=jnp.float32)
    ln_beta = jnp.zeros((EDGE_FEATURES,), dtype=jnp.float32)
    return {"X": X, "mask": mask, "residue_idx": residue_idx, "W_pe": W_pe, "b_pe": b_pe, "W_edge": W_edge, "ln_gamma": ln_gamma, "ln_beta": ln_beta}


def _rbf(D):
    D_mu = jnp.linspace(2.0, 22.0, NUM_RBF).reshape(1, 1, 1, -1)
    D_sigma = (22.0 - 2.0) / NUM_RBF
    return jnp.exp(-((D[..., None] - D_mu) / D_sigma) ** 2)


def reference(X, mask, residue_idx, W_pe, b_pe, W_edge, ln_gamma, ln_beta):
    b = X[:, :, 1, :] - X[:, :, 0, :]
    c = X[:, :, 2, :] - X[:, :, 1, :]
    a = jnp.cross(b, c)
    Cb = -0.58273431 * a + 0.56802827 * b - 0.54067466 * c + X[:, :, 1, :]
    Ca = X[:, :, 1, :]
    N = X[:, :, 0, :]
    C = X[:, :, 2, :]
    O = X[:, :, 3, :]
    # _dist on Ca
    mask_2D = mask[:, None, :] * mask[:, :, None]
    dX = Ca[:, None, :, :] - Ca[:, :, None, :]
    D = mask_2D * jnp.sqrt(jnp.sum(dX ** 2, axis=3) + 1e-06)
    D_max = jnp.max(D, axis=-1, keepdims=True)
    D_adjust = D + (1.0 - mask_2D) * D_max
    k = min(TOP_K, X.shape[1])
    neg_vals, E_idx = jax.lax.top_k(-D_adjust, k)
    def get_rbf(A, Bc):
        D_A_B = jnp.sqrt(jnp.sum((A[:, :, None, :] - Bc[:, None, :, :]) ** 2, axis=-1) + 1e-06)
        D_nb = jnp.take_along_axis(D_A_B, E_idx, axis=2)
        return _rbf(D_nb)
    pairs = [(Ca, Ca), (N, N), (C, C), (O, O), (Cb, Cb), (Ca, N), (Ca, C), (Ca, O), (Ca, Cb), (N, C), (N, O), (N, Cb), (Cb, C), (Cb, O), (O, C), (N, Ca), (C, Ca), (O, Ca), (Cb, Ca), (C, N), (O, N), (Cb, N), (C, Cb), (O, Cb), (C, O)]
    RBF_all = jnp.concatenate([get_rbf(A, Bc) for A, Bc in pairs], axis=-1)
    offset = residue_idx[:, :, None] - residue_idx[:, None, :]
    offset = jnp.take_along_axis(offset, E_idx, axis=2)
    d = jnp.clip(offset + MAX_REL, 0, 2 * MAX_REL)
    d_onehot = jax.nn.one_hot(d, 2 * MAX_REL + 2, dtype=jnp.float32)
    E_positional = d_onehot @ W_pe.T + b_pe
    E = jnp.concatenate([E_positional, RBF_all], axis=-1)
    E = E @ W_edge.T
    mu = jnp.mean(E, axis=-1, keepdims=True)
    var = jnp.var(E, axis=-1, keepdims=True)
    E = (E - mu) / jnp.sqrt(var + 1e-5) * ln_gamma + ln_beta
    return E

if __name__ == "__main__":
    import jax
    _d = setup_inputs()
    print(jax.jit(kernel)(*tuple(_d.values())))

</pallas_src>

<mosaic_0001>
#map = affine_map<(d0, d1) -> (0, 0)>
#map1 = affine_map<(d0, d1) -> (0)>
module attributes {stable_mosaic.version = 14 : i64} {
  func.func @k(%arg0: i32, %arg1: i32, %arg2: memref<4096x16xf32, #tpu.memory_space<hbm>>, %arg3: memref<196608xi32, #tpu.memory_space<hbm>>, %arg4: memref<196608x16xf32, #tpu.memory_space<hbm>>, %arg5: memref<6144xi32, #tpu.memory_space<vmem>>, %arg6: memref<6144x16xf32, #tpu.memory_space<vmem>>, %arg7: memref<!tpu.dma_semaphore, #tpu.memory_space<semaphore_mem>>) attributes {dimension_semantics = [#tpu.dimension_semantics<core_parallel>, #tpu.dimension_semantics<subcore_parallel>], iteration_bounds = array<i64: 2, 16>, scalar_prefetch = 0 : i64, scratch_operands = 3 : i64, tpu.core_type = #tpu.core_type<sc_vector_subcore>, window_params = [{transform_indices = #map}, {transform_indices = #map1}, {transform_indices = #map}]} {
    %mul3A = arith.constant 2 : i32
    %mul3A_0 = arith.muli %arg1, %mul3A : i32
    %add3A = arith.addi %mul3A_0, %arg0 : i32
    %mul3A_1 = arith.constant 6144 : i32
    %mul3A_2 = arith.muli %add3A, %mul3A_1 : i32
    "tpu.region"() ({
      %run_scoped3A = tpu.sem_alloc : memref<!tpu.dma_semaphore, #tpu.memory_space<semaphore_mem>>
      %dma_start3A_7 = tpu.memref_slice %arg3[%mul3A_2] : memref<196608xi32, #tpu.memory_space<hbm>> -> memref<6144xi32, #tpu.memory_space<hbm>>
      %dma_start3A_8 = tpu.memref_slice %arg3[%mul3A_2] : memref<196608xi32, #tpu.memory_space<hbm>> -> memref<6144xi32, #tpu.memory_space<hbm>>
      tpu.enqueue_dma source(%dma_start3A_8 : memref<6144xi32, #tpu.memory_space<hbm>>) target(%arg5 : memref<6144xi32, #tpu.memory_space<vmem>>) target_semaphore(%run_scoped3A : memref<!tpu.dma_semaphore, #tpu.memory_space<semaphore_mem>>)
      %dma_wait3A_9 = tpu.memref_slice %arg3[%mul3A_2] : memref<196608xi32, #tpu.memory_space<hbm>> -> memref<6144xi32, #tpu.memory_space<hbm>>
      %dma_wait3A_10 = tpu.memref_slice %arg3[%mul3A_2] : memref<196608xi32, #tpu.memory_space<hbm>> -> memref<6144xi32, #tpu.memory_space<hbm>>
      tpu.wait_dma2 semaphore(%run_scoped3A : memref<!tpu.dma_semaphore, #tpu.memory_space<semaphore_mem>>) src(%dma_wait3A_10 : memref<6144xi32, #tpu.memory_space<hbm>>) dst(%arg5 : memref<6144xi32, #tpu.memory_space<vmem>>)
      tpu.yield
    }) : () -> ()
    %dma_start3A = arith.constant 0 : i32
    %dma_start3A_3 = arith.constant 0 : i32
    %dma_start3A_4 = tpu.memref_slice %arg2[%dma_start3A, %dma_start3A_3] : memref<4096x16xf32, #tpu.memory_space<hbm>> -> memref<4096x16xf32, #tpu.memory_space<hbm>>
    tpu.enqueue_indirect_dma source(%dma_start3A_4 : memref<4096x16xf32, #tpu.memory_space<hbm>>) target(%arg6 : memref<6144x16xf32, #tpu.memory_space<vmem>>) offsets(%arg5 : memref<6144xi32, #tpu.memory_space<vmem>>) semaphore(%arg7 : memref<!tpu.dma_semaphore, #tpu.memory_space<semaphore_mem>>)
    %dma_wait3A = arith.constant 0 : i32
    %dma_wait3A_5 = arith.constant 0 : i32
    %dma_wait3A_6 = tpu.memref_slice %arg2[%dma_wait3A, %dma_wait3A_5] : memref<4096x16xf32, #tpu.memory_space<hbm>> -> memref<4096x16xf32, #tpu.memory_space<hbm>>
    tpu.wait_indirect_dma semaphore(%arg7 : memref<!tpu.dma_semaphore, #tpu.memory_space<semaphore_mem>>) src(%dma_wait3A_6 : memref<4096x16xf32, #tpu.memory_space<hbm>>) dst(%arg6 : memref<6144x16xf32, #tpu.memory_space<vmem>>)
    "tpu.region"() ({
      %run_scoped3A = tpu.sem_alloc : memref<!tpu.dma_semaphore, #tpu.memory_space<semaphore_mem>>
      %dma_start3A_7 = arith.constant 0 : i32
      %dma_start3A_8 = tpu.memref_slice %arg4[%mul3A_2, %dma_start3A_7] : memref<196608x16xf32, #tpu.memory_space<hbm>> -> memref<6144x16xf32, #tpu.memory_space<hbm>>
      %dma_start3A_9 = arith.constant 0 : i32
      %dma_start3A_10 = tpu.memref_slice %arg4[%mul3A_2, %dma_start3A_9] : memref<196608x16xf32, #tpu.memory_space<hbm>> -> memref<6144x16xf32, #tpu.memory_space<hbm>>
      tpu.enqueue_dma source(%arg6 : memref<6144x16xf32, #tpu.memory_space<vmem>>) target(%dma_start3A_10 : memref<6144x16xf32, #tpu.memory_space<hbm>>) target_semaphore(%run_scoped3A : memref<!tpu.dma_semaphore, #tpu.memory_space<semaphore_mem>>)
      %dma_wait3A_11 = arith.constant 0 : i32
      %dma_wait3A_12 = tpu.memref_slice %arg4[%mul3A_2, %dma_wait3A_11] : memref<196608x16xf32, #tpu.memory_space<hbm>> -> memref<6144x16xf32, #tpu.memory_space<hbm>>
      %dma_wait3A_13 = arith.constant 0 : i32
      %dma_wait3A_14 = tpu.memref_slice %arg4[%mul3A_2, %dma_wait3A_13] : memref<196608x16xf32, #tpu.memory_space<hbm>> -> memref<6144x16xf32, #tpu.memory_space<hbm>>
      tpu.wait_dma2 semaphore(%run_scoped3A : memref<!tpu.dma_semaphore, #tpu.memory_space<semaphore_mem>>) src(%arg6 : memref<6144x16xf32, #tpu.memory_space<vmem>>) dst(%dma_wait3A_14 : memref<6144x16xf32, #tpu.memory_space<hbm>>)
      tpu.yield
    }) : () -> ()
    return
  }
}

module attributes {stable_mosaic.version = 14 : i64} {
  func.func @_atoms_kernel(%arg0: memref<4096x12xf32, #tpu.memory_space<vmem>>, %arg1: memref<4096x1xf32, #tpu.memory_space<vmem>>, %arg2: memref<4096x16xf32, #tpu.memory_space<vmem>>) attributes {dimension_semantics = [], scalar_prefetch = 0 : i64, scratch_operands = 0 : i64, tpu.core_type = #tpu.core_type<tc>} {
    %get3A = arith.constant 0 : index
    %get3A_0 = arith.constant 0 : index
    %get3A_1 = vector.load %arg0[%get3A, %get3A_0] : memref<4096x12xf32, #tpu.memory_space<vmem>>, vector<4096x12xf32>
    %slice3A = vector.extract_strided_slice %get3A_1 {offsets = [0, 0], sizes = [4096, 1], strides = [1, 1]} : vector<4096x12xf32> to vector<4096x1xf32>
    %slice3A_2 = vector.extract_strided_slice %get3A_1 {offsets = [0, 1], sizes = [4096, 1], strides = [1, 1]} : vector<4096x12xf32> to vector<4096x1xf32>
    %slice3A_3 = vector.extract_strided_slice %get3A_1 {offsets = [0, 2], sizes = [4096, 1], strides = [1, 1]} : vector<4096x12xf32> to vector<4096x1xf32>
    %slice3A_4 = vector.extract_strided_slice %get3A_1 {offsets = [0, 3], sizes = [4096, 1], strides = [1, 1]} : vector<4096x12xf32> to vector<4096x1xf32>
    %slice3A_5 = vector.extract_strided_slice %get3A_1 {offsets = [0, 4], sizes = [4096, 1], strides = [1, 1]} : vector<4096x12xf32> to vector<4096x1xf32>
    %slice3A_6 = vector.extract_strided_slice %get3A_1 {offsets = [0, 5], sizes = [4096, 1], strides = [1, 1]} : vector<4096x12xf32> to vector<4096x1xf32>
    %slice3A_7 = vector.extract_strided_slice %get3A_1 {offsets = [0, 6], sizes = [4096, 1], strides = [1, 1]} : vector<4096x12xf32> to vector<4096x1xf32>
    %slice3A_8 = vector.extract_strided_slice %get3A_1 {offsets = [0, 7], sizes = [4096, 1], strides = [1, 1]} : vector<4096x12xf32> to vector<4096x1xf32>
    %slice3A_9 = vector.extract_strided_slice %get3A_1 {offsets = [0, 8], sizes = [4096, 1], strides = [1, 1]} : vector<4096x12xf32> to vector<4096x1xf32>
    %sub3A = arith.subf %slice3A_4, %slice3A : vector<4096x1xf32>
    %sub3A_10 = arith.subf %slice3A_5, %slice3A_2 : vector<4096x1xf32>
    %sub3A_11 = arith.subf %slice3A_6, %slice3A_3 : vector<4096x1xf32>
    %sub3A_12 = arith.subf %slice3A_7, %slice3A_4 : vector<4096x1xf32>
    %sub3A_13 = arith.subf %slice3A_8, %slice3A_5 : vector<4096x1xf32>
    %sub3A_14 = arith.subf %slice3A_9, %slice3A_6 : vector<4096x1xf32>
    %mul3A = arith.mulf %sub3A_10, %sub3A_14 : vector<4096x1xf32>
    %mul3A_15 = arith.mulf %sub3A_11, %sub3A_13 : vector<4096x1xf32>
    %sub3A_16 = arith.subf %mul3A, %mul3A_15 : vector<4096x1xf32>
    %mul3A_17 = arith.mulf %sub3A_11, %sub3A_12 : vector<4096x1xf32>
    %mul3A_18 = arith.mulf %sub3A, %sub3A_14 : vector<4096x1xf32>
    %sub3A_19 = arith.subf %mul3A_17, %mul3A_18 : vector<4096x1xf32>
    %mul3A_20 = arith.mulf %sub3A, %sub3A_13 : vector<4096x1xf32>
    %mul3A_21 = arith.mulf %sub3A_10, %sub3A_12 : vector<4096x1xf32>
    %sub3A_22 = arith.subf %mul3A_20, %mul3A_21 : vector<4096x1xf32>
    %mul3A_23 = arith.constant -0.582734287 : f32
    %mul3A_24 = vector.broadcast %mul3A_23 : f32 to vector<4096x1xf32>
    %mul3A_25 = arith.mulf %mul3A_24, %sub3A_16 : vector<4096x1xf32>
    %mul3A_26 = arith.constant 0.568028271 : f32
    %mul3A_27 = vector.broadcast %mul3A_26 : f32 to vector<4096x1xf32>
    %mul3A_28 = arith.mulf %mul3A_27, %sub3A : vector<4096x1xf32>
    %add3A = arith.addf %mul3A_25, %mul3A_28 : vector<4096x1xf32>
    %mul3A_29 = arith.constant 0.540674686 : f32
    %mul3A_30 = vector.broadcast %mul3A_29 : f32 to vector<4096x1xf32>
    %mul3A_31 = arith.mulf %mul3A_30, %sub3A_12 : vector<4096x1xf32>
    %sub3A_32 = arith.subf %add3A, %mul3A_31 : vector<4096x1xf32>
    %add3A_33 = arith.addf %sub3A_32, %slice3A_4 : vector<4096x1xf32>
    %mul3A_34 = arith.constant -0.582734287 : f32
    %mul3A_35 = vector.broadcast %mul3A_34 : f32 to vector<4096x1xf32>
    %mul3A_36 = arith.mulf %mul3A_35, %sub3A_19 : vector<4096x1xf32>
    %mul3A_37 = arith.constant 0.568028271 : f32
    %mul3A_38 = vector.broadcast %mul3A_37 : f32 to vector<4096x1xf32>
    %mul3A_39 = arith.mulf %mul3A_38, %sub3A_10 : vector<4096x1xf32>
    %add3A_40 = arith.addf %mul3A_36, %mul3A_39 : vector<4096x1xf32>
    %mul3A_41 = arith.constant 0.540674686 : f32
    %mul3A_42 = vector.broadcast %mul3A_41 : f32 to vector<4096x1xf32>
    %mul3A_43 = arith.mulf %mul3A_42, %sub3A_13 : vector<4096x1xf32>
    %sub3A_44 = arith.subf %add3A_40, %mul3A_43 : vector<4096x1xf32>
    %add3A_45 = arith.addf %sub3A_44, %slice3A_5 : vector<4096x1xf32>
    %mul3A_46 = arith.constant -0.582734287 : f32
    %mul3A_47 = vector.broadcast %mul3A_46 : f32 to vector<4096x1xf32>
    %mul3A_48 = arith.mulf %mul3A_47, %sub3A_22 : vector<4096x1xf32>
    %mul3A_49 = arith.constant 0.568028271 : f32
    %mul3A_50 = vector.broadcast %mul3A_49 : f32 to vector<4096x1xf32>
    %mul3A_51 = arith.mulf %mul3A_50, %sub3A_11 : vector<4096x1xf32>
    %add3A_52 = arith.addf %mul3A_48, %mul3A_51 : vector<4096x1xf32>
    %mul3A_53 = arith.constant 0.540674686 : f32
    %mul3A_54 = vector.broadcast %mul3A_53 : f32 to vector<4096x1xf32>
    %mul3A_55 = arith.mulf %mul3A_54, %sub3A_14 : vector<4096x1xf32>
    %sub3A_56 = arith.subf %add3A_52, %mul3A_55 : vector<4096x1xf32>
    %add3A_57 = arith.addf %sub3A_56, %slice3A_6 : vector<4096x1xf32>
    %swap3A = arith.constant 0 : index
    %swap3A_58 = arith.constant 0 : index
    %swap3A_59 = vector.load %arg2[%swap3A, %swap3A_58] : memref<4096x16xf32, #tpu.memory_space<vmem>>, vector<4096x12xf32>
    tpu.vector_store %arg2[%swap3A, %swap3A_58], %get3A_1 {strides = array<i32>} : memref<4096x16xf32, #tpu.memory_space<vmem>>, vector<4096x12xf32>,
    %swap3A_60 = arith.constant 0 : index
    %swap3A_61 = arith.constant 12 : index
    %swap3A_62 = vector.load %arg2[%swap3A_60, %swap3A_61] : memref<4096x16xf32, #tpu.memory_space<vmem>>, vector<4096x1xf32>
    tpu.vector_store %arg2[%swap3A_60, %swap3A_61], %add3A_33 {strides = array<i32>} : memref<4096x16xf32, #tpu.memory_space<vmem>>, vector<4096x1xf32>,
    %swap3A_63 = arith.constant 0 : index
    %swap3A_64 = arith.constant 13 : index
    %swap3A_65 = vector.load %arg2[%swap3A_63, %swap3A_64] : memref<4096x16xf32, #tpu.memory_space<vmem>>, vector<4096x1xf32>
    tpu.vector_store %arg2[%swap3A_63, %swap3A_64], %add3A_45 {strides = array<i32>} : memref<4096x16xf32, #tpu.memory_space<vmem>>, vector<4096x1xf32>,
    %swap3A_66 = arith.constant 0 : index
    %swap3A_67 = arith.constant 14 : index
    %swap3A_68 = vector.load %arg2[%swap3A_66, %swap3A_67] : memref<4096x16xf32, #tpu.memory_space<vmem>>, vector<4096x1xf32>
    tpu.vector_store %arg2[%swap3A_66, %swap3A_67], %add3A_57 {strides = array<i32>} : memref<4096x16xf32, #tpu.memory_space<vmem>>, vector<4096x1xf32>,
    %get3A_69 = arith.constant 0 : index
    %get3A_70 = arith.constant 0 : index
    %get3A_71 = vector.load %arg1[%get3A_69, %get3A_70] : memref<4096x1xf32, #tpu.memory_space<vmem>>, vector<4096x1xf32>
    %swap3A_72 = arith.constant 0 : index
    %swap3A_73 = arith.constant 15 : index
    %swap3A_74 = vector.load %arg2[%swap3A_72, %swap3A_73] : memref<4096x16xf32, #tpu.memory_space<vmem>>, vector<4096x1xf32>
    tpu.vector_store %arg2[%swap3A_72, %swap3A_73], %get3A_71 {strides = array<i32>} : memref<4096x16xf32, #tpu.memory_space<vmem>>, vector<4096x1xf32>,
    return
  }
}

module attributes {stable_mosaic.version = 14 : i64} {
  func.func @_topk_kernel(%arg0: i32, %arg1: i32, %arg2: memref<128x3xf32, #tpu.memory_space<vmem>>, %arg3: memref<1x3x1024xf32, #tpu.memory_space<vmem>>, %arg4: memref<128x1xf32, #tpu.memory_space<vmem>>, %arg5: memref<1x1x1024xf32, #tpu.memory_space<vmem>>, %arg6: memref<128x48xi32, #tpu.memory_space<vmem>>) attributes {dimension_semantics = [#tpu.dimension_semantics<arbitrary>, #tpu.dimension_semantics<arbitrary>], iteration_bounds = array<i64: 4, 8>, scalar_prefetch = 0 : i64, scratch_operands = 0 : i64, tpu.core_type = #tpu.core_type<tc>, window_params = [{transform_indices = @transform_0, window_bounds = array<i64: 128, 3>}, {transform_indices = @transform_1, window_bounds = array<i64: 1, 3, 1024>}, {transform_indices = @transform_2, window_bounds = array<i64: 128, 1>}, {transform_indices = @transform_3, window_bounds = array<i64: 1, 1, 1024>}, {transform_indices = @transform_4, window_bounds = array<i64: 128, 48>}]} {
    %get3A = arith.constant 0 : index
    %get3A_0 = arith.constant 0 : index
    %get3A_1 = arith.constant 0 : index
    %get3A_2 = vector.load %arg3[%get3A, %get3A_0, %get3A_1] : memref<1x3x1024xf32, #tpu.memory_space<vmem>>, vector<1x3x1024xf32>
    %get3A_3 = vector.shape_cast %get3A_2 : vector<1x3x1024xf32> to vector<3x1024xf32>
    %get3A_4 = arith.constant 0 : index
    %get3A_5 = arith.constant 0 : index
    %get3A_6 = vector.load %arg2[%get3A_4, %get3A_5] : memref<128x3xf32, #tpu.memory_space<vmem>>, vector<128x3xf32>
    %slice3A = vector.extract_strided_slice %get3A_6 {offsets = [0, 0], sizes = [128, 1], strides = [1, 1]} : vector<128x3xf32> to vector<128x1xf32>
    %slice3A_7 = vector.extract_strided_slice %get3A_3 {offsets = [0, 0], sizes = [1, 1024], strides = [1, 1]} : vector<3x1024xf32> to vector<1x1024xf32>
    %sub3A = vector.broadcast %slice3A : vector<128x1xf32> to vector<128x1024xf32>
    %sub3A_8 = vector.broadcast %slice3A_7 : vector<1x1024xf32> to vector<128x1024xf32>
    %sub3A_9 = arith.subf %sub3A, %sub3A_8 : vector<128x1024xf32>
    %mul3A = arith.mulf %sub3A_9, %sub3A_9 : vector<128x1024xf32>
    %slice3A_10 = vector.extract_strided_slice %get3A_6 {offsets = [0, 1], sizes = [128, 1], strides = [1, 1]} : vector<128x3xf32> to vector<128x1xf32>
    %slice3A_11 = vector.extract_strided_slice %get3A_3 {offsets = [1, 0], sizes = [1, 1024], strides = [1, 1]} : vector<3x1024xf32> to vector<1x1024xf32>
    %sub3A_12 = vector.broadcast %slice3A_10 : vector<128x1xf32> to vector<128x1024xf32>
    %sub3A_13 = vector.broadcast %slice3A_11 : vector<1x1024xf32> to vector<128x1024xf32>
    %sub3A_14 = arith.subf %sub3A_12, %sub3A_13 : vector<128x1024xf32>
    %mul3A_15 = arith.mulf %sub3A_14, %sub3A_14 : vector<128x1024xf32>
    %add3A = arith.addf %mul3A, %mul3A_15 : vector<128x1024xf32>
    %slice3A_16 = vector.extract_strided_slice %get3A_6 {offsets = [0, 2], sizes = [128, 1], strides = [1, 1]} : vector<128x3xf32> to vector<128x1xf32>
    %slice3A_17 = vector.extract_strided_slice %get3A_3 {offsets = [2, 0], sizes = [1, 1024], strides = [1, 1]} : vector<3x1024xf32> to vector<1x1024xf32>
    %sub3A_18 = vector.broadcast %slice3A_16 : vector<128x1xf32> to vector<128x1024xf32>
    %sub3A_19 = vector.broadcast %slice3A_17 : vector<1x1024xf32> to vector<128x1024xf32>
    %sub3A_20 = arith.subf %sub3A_18, %sub3A_19 : vector<128x1024xf32>
    %mul3A_21 = arith.mulf %sub3A_20, %sub3A_20 : vector<128x1024xf32>
    %add3A_22 = arith.addf %add3A, %mul3A_21 : vector<128x1024xf32>
    %get3A_23 = arith.constant 0 : index
    %get3A_24 = arith.constant 0 : index
    %get3A_25 = vector.load %arg4[%get3A_23, %get3A_24] : memref<128x1xf32, #tpu.memory_space<vmem>>, vector<128x1xf32>
    %get3A_26 = arith.constant 0 : index
    %get3A_27 = arith.constant 0 : index
    %get3A_28 = arith.constant 0 : index
    %get3A_29 = vector.load %arg5[%get3A_26, %get3A_27, %get3A_28] : memref<1x1x1024xf32, #tpu.memory_space<vmem>>, vector<1x1x1024xf32>
    %get3A_30 = vector.shape_cast %get3A_29 : vector<1x1x1024xf32> to vector<1x1024xf32>
    %mul3A_31 = vector.broadcast %get3A_25 : vector<128x1xf32> to vector<128x1024xf32>
    %mul3A_32 = vector.broadcast %get3A_30 : vector<1x1024xf32> to vector<128x1024xf32>
    %mul3A_33 = arith.mulf %mul3A_31, %mul3A_32 : vector<128x1024xf32>
    %add3A_34 = arith.constant 9.99999997E-7 : f32
    %add3A_35 = vector.broadcast %add3A_34 : f32 to vector<128x1024xf32>
    %add3A_36 = arith.addf %add3A_22, %add3A_35 : vector<128x1024xf32>
    %sqrt3A = math.sqrt %add3A_36 : vector<128x1024xf32>
    %mul3A_37 = arith.mulf %mul3A_33, %sqrt3A : vector<128x1024xf32>
    %reduce_max3A = arith.constant dense<0xFF800000> : vector<128xf32>
    %reduce_max3A_38 = vector.multi_reduction <maximumf>, %mul3A_37, %reduce_max3A [1] : vector<128x1024xf32> to vector<128xf32>
    %broadcast_in_dim3A = vector.shape_cast %reduce_max3A_38 : vector<128xf32> to vector<128x1xf32>
    %sub3A_39 = arith.constant 1.000000e+00 : f32
    %sub3A_40 = vector.broadcast %sub3A_39 : f32 to vector<128x1024xf32>
    %sub3A_41 = arith.subf %sub3A_40, %mul3A_33 : vector<128x1024xf32>
    %mul3A_42 = vector.broadcast %broadcast_in_dim3A : vector<128x1xf32> to vector<128x1024xf32>
    %mul3A_43 = arith.mulf %sub3A_41, %mul3A_42 : vector<128x1024xf32>
    %add3A_44 = arith.addf %mul3A_37, %mul3A_43 : vector<128x1024xf32>
    %iota3A = tpu.iota {dimensions = array<i32: 1>} : vector<128x1024xi32>
    %convert_element_type3A = arith.sitofp %iota3A : vector<128x1024xi32> to vector<128x1024xf32>
    %reduce_min3A = arith.constant dense<0x7F800000> : vector<128xf32>
    %reduce_min3A_45 = vector.multi_reduction <minimumf>, %add3A_44, %reduce_min3A [1] : vector<128x1024xf32> to vector<128xf32>
    %broadcast_in_dim3A_46 = vector.shape_cast %reduce_min3A_45 : vector<128xf32> to vector<128x1xf32>
    %le3A = vector.broadcast %broadcast_in_dim3A_46 : vector<128x1xf32> to vector<128x1024xf32>
    %le3A_47 = arith.cmpf ole, %add3A_44, %le3A : vector<128x1024xf32>
    %jit3A = arith.constant 2.048000e+03 : f32
    %broadcast_in_dim3A_48 = vector.broadcast %jit3A : f32 to vector<128x1024xf32>
    %select_n3A = arith.select %le3A_47, %convert_element_type3A, %broadcast_in_dim3A_48 : vector<128x1024xi1>, vector<128x1024xf32>
    %reduce_min3A_49 = arith.constant dense<0x7F800000> : vector<128xf32>
    %reduce_min3A_50 = vector.multi_reduction <minimumf>, %select_n3A, %reduce_min3A_49 [1] : vector<128x1024xf32> to vector<128xf32>
    %broadcast_in_dim3A_51 = vector.shape_cast %reduce_min3A_50 : vector<128xf32> to vector<128x1xf32>
    %eq3A = vector.broadcast %broadcast_in_dim3A_51 : vector<128x1xf32> to vector<128x1024xf32>
    %eq3A_52 = arith.cmpf oeq, %convert_element_type3A, %eq3A : vector<128x1024xf32>
    %jit3A_53 = arith.constant 3.000000e+38 : f32
    %broadcast_in_dim3A_54 = vector.broadcast %jit3A_53 : f32 to vector<128x1024xf32>
    %select_n3A_55 = arith.select %eq3A_52, %broadcast_in_dim3A_54, %add3A_44 : vector<128x1024xi1>, vector<128x1024xf32>
    %reduce_min3A_56 = arith.constant dense<0x7F800000> : vector<128xf32>
    %reduce_min3A_57 = vector.multi_reduction <minimumf>, %select_n3A_55, %reduce_min3A_56 [1] : vector<128x1024xf32> to vector<128xf32>
    %broadcast_in_dim3A_58 = vector.shape_cast %reduce_min3A_57 : vector<128xf32> to vector<128x1xf32>
    %le3A_59 = vector.broadcast %broadcast_in_dim3A_58 : vector<128x1xf32> to vector<128x1024xf32>
    %le3A_60 = arith.cmpf ole, %select_n3A_55, %le3A_59 : vector<128x1024xf32>
    %jit3A_61 = arith.constant 2.048000e+03 : f32
    %broadcast_in_dim3A_62 = vector.broadcast %jit3A_61 : f32 to vector<128x1024xf32>
    %select_n3A_63 = arith.select %le3A_60, %convert_element_type3A, %broadcast_in_dim3A_62 : vector<128x1024xi1>, vector<128x1024xf32>
    %reduce_min3A_64 = arith.constant dense<0x7F800000> : vector<128xf32>
    %reduce_min3A_65 = vector.multi_reduction <minimumf>, %select_n3A_63, %reduce_min3A_64 [1] : vector<128x1024xf32> to vector<128xf32>
    %broadcast_in_dim3A_66 = vector.shape_cast %reduce_min3A_65 : vector<128xf32> to vector<128x1xf32>
    %eq3A_67 = vector.broadcast %broadcast_in_dim3A_66 : vector<128x1xf32> to vector<128x1024xf32>
    %eq3A_68 = arith.cmpf oeq, %convert_element_type3A, %eq3A_67 : vector<128x1024xf32>
    %jit3A_69 = arith.constant 3.000000e+38 : f32
    %broadcast_in_dim3A_70 = vector.broadcast %jit3A_69 : f32 to vector<128x1024xf32>
    %select_n3A_71 = arith.select %eq3A_68, %broadcast_in_dim3A_70, %select_n3A_55 : vector<128x1024xi1>, vector<128x1024xf32>
    %reduce_min3A_72 = arith.constant dense<0x7F800000> : vector<128xf32>
    %reduce_min3A_73 = vector.multi_reduction <minimumf>, %select_n3A_71, %reduce_min3A_72 [1] : vector<128x1024xf32> to vector<128xf32>
    %broadcast_in_dim3A_74 = vector.shape_cast %reduce_min3A_73 : vector<128xf32> to vector<128x1xf32>
    %le3A_75 = vector.broadcast %broadcast_in_dim3A_74 : vector<128x1xf32> to vector<128x1024xf32>
    %le3A_76 = arith.cmpf ole, %select_n3A_71, %le3A_75 : vector<128x1024xf32>
    %jit3A_77 = arith.constant 2.048000e+03 : f32
    %broadcast_in_dim3A_78 = vector.broadcast %jit3A_77 : f32 to vector<128x1024xf32>
    %select_n3A_79 = arith.select %le3A_76, %convert_element_type3A, %broadcast_in_dim3A_78 : vector<128x1024xi1>, vector<128x1024xf32>
    %reduce_min3A_80 = arith.constant dense<0x7F800000> : vector<128xf32>
    %reduce_min3A_81 = vector.multi_reduction <minimumf>, %select_n3A_79, %reduce_min3A_80 [1] : vector<128x1024xf32> to vector<128xf32>
    %broadcast_in_dim3A_82 = vector.shape_cast %reduce_min3A_81 : vector<128xf32> to vector<128x1xf32>
    %eq3A_83 = vector.broadcast %broadcast_in_dim3A_82 : vector<128x1xf32> to vector<128x1024xf32>
    %eq3A_84 = arith.cmpf oeq, %convert_element_type3A, %eq3A_83 : vector<128x1024xf32>
    %jit3A_85 = arith.constant 3.000000e+38 : f32
    %broadcast_in_dim3A_86 = vector.broadcast %jit3A_85 : f32 to vector<128x1024xf32>
    %select_n3A_87 = arith.select %eq3A_84, %broadcast_in_dim3A_86, %select_n3A_71 : vector<128x1024xi1>, vector<128x1024xf32>
    %reduce_min3A_88 = arith.constant dense<0x7F800000> : vector<128xf32>
    %reduce_min3A_89 = vector.multi_reduction <minimumf>, %select_n3A_87, %reduce_min3A_88 [1] : vector<128x1024xf32> to vector<128xf32>
    %broadcast_in_dim3A_90 = vector.shape_cast %reduce_min3A_89 : vector<128xf32> to vector<128x1xf32>
    %le3A_91 = vector.broadcast %broadcast_in_dim3A_90 : vector<128x1xf32> to vector<128x1024xf32>
    %le3A_92 = arith.cmpf ole, %select_n3A_87, %le3A_91 : vector<128x1024xf32>
    %jit3A_93 = arith.constant 2.048000e+03 : f32
    %broadcast_in_dim3A_94 = vector.broadcast %jit3A_93 : f32 to vector<128x1024xf32>
    %select_n3A_95 = arith.select %le3A_92, %convert_element_type3A, %broadcast_in_dim3A_94 : vector<128x1024xi1>, vector<128x1024xf32>
    %reduce_min3A_96 = arith.constant dense<0x7F800000> : vector<128xf32>
    %reduce_min3A_97 = vector.multi_reduction <minimumf>, %select_n3A_95, %reduce_min3A_96 [1] : vector<128x1024xf32> to vector<128xf32>
    %broadcast_in_dim3A_98 = vector.shape_cast %reduce_min3A_97 : vector<128xf32> to vector<128x1xf32>
    %eq3A_99 = vector.broadcast %broadcast_in_dim3A_98 : vector<128x1xf32> to vector<128x1024xf32>
    %eq3A_100 = arith.cmpf oeq, %convert_element_type3A, %eq3A_99 : vector<128x1024xf32>
    %jit3A_101 = arith.constant 3.000000e+38 : f32
    %broadcast_in_dim3A_102 = vector.broadcast %jit3A_101 : f32 to vector<128x1024xf32>
    %select_n3A_103 = arith.select %eq3A_100, %broadcast_in_dim3A_102, %select_n3A_87 : vector<128x1024xi1>, vector<128x1024xf32>
    %reduce_min3A_104 = arith.constant dense<0x7F800000> : vector<128xf32>
    %reduce_min3A_105 = vector.multi_reduction <minimumf>, %select_n3A_103, %reduce_min3A_104 [1] : vector<128x1024xf32> to vector<128xf32>
    %broadcast_in_dim3A_106 = vector.shape_cast %reduce_min3A_105 : vector<128xf32> to vector<128x1xf32>
    %le3A_107 = vector.broadcast %broadcast_in_dim3A_106 : vector<128x1xf32> to vector<128x1024xf32>
    %le3A_108 = arith.cmpf ole, %select_n3A_103, %le3A_107 : vector<128x1024xf32>
    %jit3A_109 = arith.constant 2.048000e+03 : f32
    %broadcast_in_dim3A_110 = vector.broadcast %jit3A_109 : f32 to vector<128x1024xf32>
    %select_n3A_111 = arith.select %le3A_108, %convert_element_type3A, %broadcast_in_dim3A_110 : vector<128x1024xi1>, vector<128x1024xf32>
    %reduce_min3A_112 = arith.constant dense<0x7F800000> : vector<128xf32>
    %reduce_min3A_113 = vector.multi_reduction <minimumf>, %select_n3A_111, %reduce_min3A_112 [1] : vector<128x1024xf32> to vector<128xf32>
    %broadcast_in_dim3A_114 = vector.shape_cast %reduce_min3A_113 : vector<128xf32> to vector<128x1xf32>
    %eq3A_115 = vector.broadcast %broadcast_in_dim3A_114 : vector<128x1xf32> to vector<128x1024xf32>
    %eq3A_116 = arith.cmpf oeq, %convert_element_type3A, %eq3A_115 : vector<128x1024xf32>
    %jit3A_117 = arith.constant 3.000000e+38 : f32
    %broadcast_in_dim3A_118 = vector.broadcast %jit3A_117 : f32 to vector<128x1024xf32>
    %select_n3A_119 = arith.select %eq3A_116, %broadcast_in_dim3A_118, %select_n3A_103 : vector<128x1024xi1>, vector<128x1024xf32>
    %reduce_min3A_120 = arith.constant dense<0x7F800000> : vector<128xf32>
    %reduce_min3A_121 = vector.multi_reduction <minimumf>, %select_n3A_119, %reduce_min3A_120 [1] : vector<128x1024xf32> to vector<128xf32>
    %broadcast_in_dim3A_122 = vector.shape_cast %reduce_min3A_121 : vector<128xf32> to vector<128x1xf32>
    %le3A_123 = vector.broadcast %broadcast_in_dim3A_122 : vector<128x1xf32> to vector<128x1024xf32>
    %le3A_124 = arith.cmpf ole, %select_n3A_119, %le3A_123 : vector<128x1024xf32>
    %jit3A_125 = arith.constant 2.048000e+03 : f32
    %broadcast_in_dim3A_126 = vector.broadcast %jit3A_125 : f32 to vector<128x1024xf32>
    %select_n3A_127 = arith.select %le3A_124, %convert_element_type3A, %broadcast_in_dim3A_126 : vector<128x1024xi1>, vector<128x1024xf32>
    %reduce_min3A_128 = arith.constant dense<0x7F800000> : vector<128xf32>
    %reduce_min3A_129 = vector.multi_reduction <minimumf>, %select_n3A_127, %reduce_min3A_128 [1] : vector<128x1024xf32> to vector<128xf32>
    %broadcast_in_dim3A_130 = vector.shape_cast %reduce_min3A_129 : vector<128xf32> to vector<128x1xf32>
    %eq3A_131 = vector.broadcast %broadcast_in_dim3A_130 : vector<128x1xf32> to vector<128x1024xf32>
    %eq3A_132 = arith.cmpf oeq, %convert_element_type3A, %eq3A_131 : vector<128x1024xf32>
    %jit3A_133 = arith.constant 3.000000e+38 : f32
    %broadcast_in_dim3A_134 = vector.broadcast %jit3A_133 : f32 to vector<128x1024xf32>
    %select_n3A_135 = arith.select %eq3A_132, %broadcast_in_dim3A_134, %select_n3A_119 : vector<128x1024xi1>, vector<128x1024xf32>
    %reduce_min3A_136 = arith.constant dense<0x7F800000> : vector<128xf32>
    %reduce_min3A_137 = vector.multi_reduction <minimumf>, %select_n3A_135, %reduce_min3A_136 [1] : vector<128x1024xf32> to vector<128xf32>
    %broadcast_in_dim3A_138 = vector.shape_cast %reduce_min3A_137 : vector<128xf32> to vector<128x1xf32>
    %le3A_139 = vector.broadcast %broadcast_in_dim3A_138 : vector<128x1xf32> to vector<128x1024xf32>
    %le3A_140 = arith.cmpf ole, %select_n3A_135, %le3A_139 : vector<128x1024xf32>
    %jit3A_141 = arith.constant 2.048000e+03 : f32
    %broadcast_in_dim3A_142 = vector.broadcast %jit3A_141 : f32 to vector<128x1024xf32>
    %select_n3A_143 = arith.select %le3A_140, %convert_element_type3A, %broadcast_in_dim3A_142 : vector<128x1024xi1>, vector<128x1024xf32>
    %reduce_min3A_144 = arith.constant dense<0x7F800000> : vector<128xf32>
    %reduce_min3A_145 = vector.multi_reduction <minimumf>, %select_n3A_143, %reduce_min3A_144 [1] : vector<128x1024xf32> to vector<128xf32>
    %broadcast_in_dim3A_146 = vector.shape_cast %reduce_min3A_145 : vector<128xf32> to vector<128x1xf32>
    %eq3A_147 = vector.broadcast %broadcast_in_dim3A_146 : vector<128x1xf32> to vector<128x1024xf32>
    %eq3A_148 = arith.cmpf oeq, %convert_element_type3A, %eq3A_147 : vector<128x1024xf32>
    %jit3A_149 = arith.constant 3.000000e+38 : f32
    %broadcast_in_dim3A_150 = vector.broadcast %jit3A_149 : f32 to vector<128x1024xf32>
    %select_n3A_151 = arith.select %eq3A_148, %broadcast_in_dim3A_150, %select_n3A_135 : vector<128x1024xi1>, vector<128x1024xf32>
    %reduce_min3A_152 = arith.constant dense<0x7F800000> : vector<128xf32>
    %reduce_min3A_153 = vector.multi_reduction <minimumf>, %select_n3A_151, %reduce_min3A_152 [1] : vector<128x1024xf32> to vector<128xf32>
    %broadcast_in_dim3A_154 = vector.shape_cast %reduce_min3A_153 : vector<128xf32> to vector<128x1xf32>
    %le3A_155 = vector.broadcast %broadcast_in_dim3A_154 : vector<128x1xf32> to vector<128x1024xf32>
    %le3A_156 = arith.cmpf ole, %select_n3A_151, %le3A_155 : vector<128x1024xf32>
    %jit3A_157 = arith.constant 2.048000e+03 : f32
    %broadcast_in_dim3A_158 = vector.broadcast %jit3A_157 : f32 to vector<128x1024xf32>
    %select_n3A_159 = arith.select %le3A_156, %convert_element_type3A, %broadcast_in_dim3A_158 : vector<128x1024xi1>, vector<128x1024xf32>
    %reduce_min3A_160 = arith.constant dense<0x7F800000> : vector<128xf32>
    %reduce_min3A_161 = vector.multi_reduction <minimumf>, %select_n3A_159, %reduce_min3A_160 [1] : vector<128x1024xf32> to vector<128xf32>
    %broadcast_in_dim3A_162 = vector.shape_cast %reduce_min3A_161 : vector<128xf32> to vector<128x1xf32>
    %eq3A_163 = vector.broadcast %broadcast_in_dim3A_162 : vector<128x1xf32> to vector<128x1024xf32>
    %eq3A_164 = arith.cmpf oeq, %convert_element_type3A, %eq3A_163 : vector<128x1024xf32>
    %jit3A_165 = arith.constant 3.000000e+38 : f32
    %broadcast_in_dim3A_166 = vector.broadcast %jit3A_165 : f32 to vector<128x1024xf32>
    %select_n3A_167 = arith.select %eq3A_164, %broadcast_in_dim3A_166, %select_n3A_151 : vector<128x1024xi1>, vector<128x1024xf32>
    %reduce_min3A_168 = arith.constant dense<0x7F800000> : vector<128xf32>
    %reduce_min3A_169 = vector.multi_reduction <minimumf>, %select_n3A_167, %reduce_min3A_168 [1] : vector<128x1024xf32> to vector<128xf32>
    %broadcast_in_dim3A_170 = vector.shape_cast %reduce_min3A_169 : vector<128xf32> to vector<128x1xf32>
    %le3A_171 = vector.broadcast %broadcast_in_dim3A_170 : vector<128x1xf32> to vector<128x1024xf32>
    %le3A_172 = arith.cmpf ole, %select_n3A_167, %le3A_171 : vector<128x1024xf32>
    %jit3A_173 = arith.constant 2.048000e+03 : f32
    %broadcast_in_dim3A_174 = vector.broadcast %jit3A_173 : f32 to vector<128x1024xf32>
    %select_n3A_175 = arith.select %le3A_172, %convert_element_type3A, %broadcast_in_dim3A_174 : vector<128x1024xi1>, vector<128x1024xf32>
    %reduce_min3A_176 = arith.constant dense<0x7F800000> : vector<128xf32>
    %reduce_min3A_177 = vector.multi_reduction <minimumf>, %select_n3A_175, %reduce_min3A_176 [1] : vector<128x1024xf32> to vector<128xf32>
    %broadcast_in_dim3A_178 = vector.shape_cast %reduce_min3A_177 : vector<128xf32> to vector<128x1xf32>
    %eq3A_179 = vector.broadcast %broadcast_in_dim3A_178 : vector<128x1xf32> to vector<128x1024xf32>
    %eq3A_180 = arith.cmpf oeq, %convert_element_type3A, %eq3A_179 : vector<128x1024xf32>
    %jit3A_181 = arith.constant 3.000000e+38 : f32
    %broadcast_in_dim3A_182 = vector.broadcast %jit3A_181 : f32 to vector<128x1024xf32>
    %select_n3A_183 = arith.select %eq3A_180, %broadcast_in_dim3A_182, %select_n3A_167 : vector<128x1024xi1>, vector<128x1024xf32>
    %reduce_min3A_184 = arith.constant dense<0x7F800000> : vector<128xf32>
    %reduce_min3A_185 = vector.multi_reduction <minimumf>, %select_n3A_183, %reduce_min3A_184 [1] : vector<128x1024xf32> to vector<128xf32>
    %broadcast_in_dim3A_186 = vector.shape_cast %reduce_min3A_185 : vector<128xf32> to vector<128x1xf32>
    %le3A_187 = vector.broadcast %broadcast_in_dim3A_186 : vector<128x1xf32> to vector<128x1024xf32>
    %le3A_188 = arith.cmpf ole, %select_n3A_183, %le3A_187 : vector<128x1024xf32>
    %jit3A_189 = arith.constant 2.048000e+03 : f32
    %broadcast_in_dim3A_190 = vector.broadcast %jit3A_189 : f32 to vector<128x1024xf32>
    %select_n3A_191 = arith.select %le3A_188, %convert_element_type3A, %broadcast_in_dim3A_190 : vector<128x1024xi1>, vector<128x1024xf32>
    %reduce_min3A_192 = arith.constant dense<0x7F800000> : vector<128xf32>
    %reduce_min3A_193 = vector.multi_reduction <minimumf>, %select_n3A_191, %reduce_min3A_192 [1] : vector<128x1024xf32> to vector<128xf32>
    %broadcast_in_dim3A_194 = vector.shape_cast %reduce_min3A_193 : vector<128xf32> to vector<128x1xf32>
    %eq3A_195 = vector.broadcast %broadcast_in_dim3A_194 : vector<128x1xf32> to vector<128x1024xf32>
    %eq3A_196 = arith.cmpf oeq, %convert_element_type3A, %eq3A_195 : vector<128x1024xf32>
    %jit3A_197 = arith.constant 3.000000e+38 : f32
    %broadcast_in_dim3A_198 = vector.broadcast %jit3A_197 : f32 to vector<128x1024xf32>
    %select_n3A_199 = arith.select %eq3A_196, %broadcast_in_dim3A_198, %select_n3A_183 : vector<128x1024xi1>, vector<128x1024xf32>
    %reduce_min3A_200 = arith.constant dense<0x7F800000> : vector<128xf32>
    %reduce_min3A_201 = vector.multi_reduction <minimumf>, %select_n3A_199, %reduce_min3A_200 [1] : vector<128x1024xf32> to vector<128xf32>
    %broadcast_in_dim3A_202 = vector.shape_cast %reduce_min3A_201 : vector<128xf32> to vector<128x1xf32>
    %le3A_203 = vector.broadcast %broadcast_in_dim3A_202 : vector<128x1xf32> to vector<128x1024xf32>
    %le3A_204 = arith.cmpf ole, %select_n3A_199, %le3A_203 : vector<128x1024xf32>
    %jit3A_205 = arith.constant 2.048000e+03 : f32
    %broadcast_in_dim3A_206 = vector.broadcast %jit3A_205 : f32 to vector<128x1024xf32>
    %select_n3A_207 = arith.select %le3A_204, %convert_element_type3A, %broadcast_in_dim3A_206 : vector<128x1024xi1>, vector<128x1024xf32>
    %reduce_min3A_208 = arith.constant dense<0x7F800000> : vector<128xf32>
    %reduce_min3A_209 = vector.multi_reduction <minimumf>, %select_n3A_207, %reduce_min3A_208 [1] : vector<128x1024xf32> to vector<128xf32>
    %broadcast_in_dim3A_210 = vector.shape_cast %reduce_min3A_209 : vector<128xf32> to vector<128x1xf32>
    %eq3A_211 = vector.broadcast %broadcast_in_dim3A_210 : vector<128x1xf32> to vector<128x1024xf32>
    %eq3A_212 = arith.cmpf oeq, %convert_element_type3A, %eq3A_211 : vector<128x1024xf32>
    %jit3A_213 = arith.constant 3.000000e+38 : f32
    %broadcast_in_dim3A_214 = vector.broadcast %jit3A_213 : f32 to vector<128x1024xf32>
    %select_n3A_215 = arith.select %eq3A_212, %broadcast_in_dim3A_214, %select_n3A_199 : vector<128x1024xi1>, vector<128x1024xf32>
    %reduce_min3A_216 = arith.constant dense<0x7F800000> : vector<128xf32>
    %reduce_min3A_217 = vector.multi_reduction <minimumf>, %select_n3A_215, %reduce_min3A_216 [1] : vector<128x1024xf32> to vector<128xf32>
    %broadcast_in_dim3A_218 = vector.shape_cast %reduce_min3A_217 : vector<128xf32> to vector<128x1xf32>
    %le3A_219 = vector.broadcast %broadcast_in_dim3A_218 : vector<128x1xf32> to vector<128x1024xf32>
    %le3A_220 = arith.cmpf ole, %select_n3A_215, %le3A_219 : vector<128x1024xf32>
    %jit3A_221 = arith.constant 2.048000e+03 : f32
    %broadcast_in_dim3A_222 = vector.broadcast %jit3A_221 : f32 to vector<128x1024xf32>
    %select_n3A_223 = arith.select %le3A_220, %convert_element_type3A, %broadcast_in_dim3A_222 : vector<128x1024xi1>, vector<128x1024xf32>
    %reduce_min3A_224 = arith.constant dense<0x7F800000> : vector<128xf32>
    %reduce_min3A_225 = vector.multi_reduction <minimumf>, %select_n3A_223, %reduce_min3A_224 [1] : vector<128x1024xf32> to vector<128xf32>
    %broadcast_in_dim3A_226 = vector.shape_cast %reduce_min3A_225 : vector<128xf32> to vector<128x1xf32>
    %eq3A_227 = vector.broadcast %broadcast_in_dim3A_226 : vector<128x1xf32> to vector<128x1024xf32>
    %eq3A_228 = arith.cmpf oeq, %convert_element_type3A, %eq3A_227 : vector<128x1024xf32>
    %jit3A_229 = arith.constant 3.000000e+38 : f32
    %broadcast_in_dim3A_230 = vector.broadcast %jit3A_229 : f32 to vector<128x1024xf32>
    %select_n3A_231 = arith.select %eq3A_228, %broadcast_in_dim3A_230, %select_n3A_215 : vector<128x1024xi1>, vector<128x1024xf32>
    %reduce_min3A_232 = arith.constant dense<0x7F800000> : vector<128xf32>
    %reduce_min3A_233 = vector.multi_reduction <minimumf>, %select_n3A_231, %reduce_min3A_232 [1] : vector<128x1024xf32> to vector<128xf32>
    %broadcast_in_dim3A_234 = vector.shape_cast %reduce_min3A_233 : vector<128xf32> to vector<128x1xf32>
    %le3A_235 = vector.broadcast %broadcast_in_dim3A_234 : vector<128x1xf32> to vector<128x1024xf32>
    %le3A_236 = arith.cmpf ole, %select_n3A_231, %le3A_235 : vector<128x1024xf32>
    %jit3A_237 = arith.constant 2.048000e+03 : f32
    %broadcast_in_dim3A_238 = vector.broadcast %jit3A_237 : f32 to vector<128x1024xf32>
    %select_n3A_239 = arith.select %le3A_236, %convert_element_type3A, %broadcast_in_dim3A_238 : vector<128x1024xi1>, vector<128x1024xf32>
    %reduce_min3A_240 = arith.constant dense<0x7F800000> : vector<128xf32>
    %reduce_min3A_241 = vector.multi_reduction <minimumf>, %select_n3A_239, %reduce_min3A_240 [1] : vector<128x1024xf32> to vector<128xf32>
    %broadcast_in_dim3A_242 = vector.shape_cast %reduce_min3A_241 : vector<128xf32> to vector<128x1xf32>
    %eq3A_243 = vector.broadcast %broadcast_in_dim3A_242 : vector<128x1xf32> to vector<128x1024xf32>
    %eq3A_244 = arith.cmpf oeq, %convert_element_type3A, %eq3A_243 : vector<128x1024xf32>
    %jit3A_245 = arith.constant 3.000000e+38 : f32
    %broadcast_in_dim3A_246 = vector.broadcast %jit3A_245 : f32 to vector<128x1024xf32>
    %select_n3A_247 = arith.select %eq3A_244, %broadcast_in_dim3A_246, %select_n3A_231 : vector<128x1024xi1>, vector<128x1024xf32>
    %reduce_min3A_248 = arith.constant dense<0x7F800000> : vector<128xf32>
    %reduce_min3A_249 = vector.multi_reduction <minimumf>, %select_n3A_247, %reduce_min3A_248 [1] : vector<128x1024xf32> to vector<128xf32>
    %broadcast_in_dim3A_250 = vector.shape_cast %reduce_min3A_249 : vector<128xf32> to vector<128x1xf32>
    %le3A_251 = vector.broadcast %broadcast_in_dim3A_250 : vector<128x1xf32> to vector<128x1024xf32>
    %le3A_252 = arith.cmpf ole, %select_n3A_247, %le3A_251 : vector<128x1024xf32>
    %jit3A_253 = arith.constant 2.048000e+03 : f32
    %broadcast_in_dim3A_254 = vector.broadcast %jit3A_253 : f32 to vector<128x1024xf32>
    %select_n3A_255 = arith.select %le3A_252, %convert_element_type3A, %broadcast_in_dim3A_254 : vector<128x1024xi1>, vector<128x1024xf32>
    %reduce_min3A_256 = arith.constant dense<0x7F800000> : vector<128xf32>
    %reduce_min3A_257 = vector.multi_reduction <minimumf>, %select_n3A_255, %reduce_min3A_256 [1] : vector<128x1024xf32> to vector<128xf32>
    %broadcast_in_dim3A_258 = vector.shape_cast %reduce_min3A_257 : vector<128xf32> to vector<128x1xf32>
    %eq3A_259 = vector.broadcast %broadcast_in_dim3A_258 : vector<128x1xf32> to vector<128x1024xf32>
    %eq3A_260 = arith.cmpf oeq, %convert_element_type3A, %eq3A_259 : vector<128x1024xf32>
    %jit3A_261 = arith.constant 3.000000e+38 : f32
    %broadcast_in_dim3A_262 = vector.broadcast %jit3A_261 : f32 to vector<128x1024xf32>
    %select_n3A_263 = arith.select %eq3A_260, %broadcast_in_dim3A_262, %select_n3A_247 : vector<128x1024xi1>, vector<128x1024xf32>
    %reduce_min3A_264 = arith.constant dense<0x7F800000> : vector<128xf32>
    %reduce_min3A_265 = vector.multi_reduction <minimumf>, %select_n3A_263, %reduce_min3A_264 [1] : vector<128x1024xf32> to vector<128xf32>
    %broadcast_in_dim3A_266 = vector.shape_cast %reduce_min3A_265 : vector<128xf32> to vector<128x1xf32>
    %le3A_267 = vector.broadcast %broadcast_in_dim3A_266 : vector<128x1xf32> to vector<128x1024xf32>
    %le3A_268 = arith.cmpf ole, %select_n3A_263, %le3A_267 : vector<128x1024xf32>
    %jit3A_269 = arith.constant 2.048000e+03 : f32
    %broadcast_in_dim3A_270 = vector.broadcast %jit3A_269 : f32 to vector<128x1024xf32>
    %select_n3A_271 = arith.select %le3A_268, %convert_element_type3A, %broadcast_in_dim3A_270 : vector<128x1024xi1>, vector<128x1024xf32>
    %reduce_min3A_272 = arith.constant dense<0x7F800000> : vector<128xf32>
    %reduce_min3A_273 = vector.multi_reduction <minimumf>, %select_n3A_271, %reduce_min3A_272 [1] : vector<128x1024xf32> to vector<128xf32>
    %broadcast_in_dim3A_274 = vector.shape_cast %reduce_min3A_273 : vector<128xf32> to vector<128x1xf32>
    %eq3A_275 = vector.broadcast %broadcast_in_dim3A_274 : vector<128x1xf32> to vector<128x1024xf32>
    %eq3A_276 = arith.cmpf oeq, %convert_element_type3A, %eq3A_275 : vector<128x1024xf32>
    %jit3A_277 = arith.constant 3.000000e+38 : f32
    %broadcast_in_dim3A_278 = vector.broadcast %jit3A_277 : f32 to vector<128x1024xf32>
    %select_n3A_279 = arith.select %eq3A_276, %broadcast_in_dim3A_278, %select_n3A_263 : vector<128x1024xi1>, vector<128x1024xf32>
    %reduce_min3A_280 = arith.constant dense<0x7F800000> : vector<128xf32>
    %reduce_min3A_281 = vector.multi_reduction <minimumf>, %select_n3A_279, %reduce_min3A_280 [1] : vector<128x1024xf32> to vector<128xf32>
    %broadcast_in_dim3A_282 = vector.shape_cast %reduce_min3A_281 : vector<128xf32> to vector<128x1xf32>
    %le3A_283 = vector.broadcast %broadcast_in_dim3A_282 : vector<128x1xf32> to vector<128x1024xf32>
    %le3A_284 = arith.cmpf ole, %select_n3A_279, %le3A_283 : vector<128x1024xf32>
    %jit3A_285 = arith.constant 2.048000e+03 : f32
    %broadcast_in_dim3A_286 = vector.broadcast %jit3A_285 : f32 to vector<128x1024xf32>
    %select_n3A_287 = arith.select %le3A_284, %convert_element_type3A, %broadcast_in_dim3A_286 : vector<128x1024xi1>, vector<128x1024xf32>
    %reduce_min3A_288 = arith.constant dense<0x7F800000> : vector<128xf32>
    %reduce_min3A_289 = vector.multi_reduction <minimumf>, %select_n3A_287, %reduce_min3A_288 [1] : vector<128x1024xf32> to vector<128xf32>
    %broadcast_in_dim3A_290 = vector.shape_cast %reduce_min3A_289 : vector<128xf32> to vector<128x1xf32>
    %eq3A_291 = vector.broadcast %broadcast_in_dim3A_290 : vector<128x1xf32> to vector<128x1024xf32>
    %eq3A_292 = arith.cmpf oeq, %convert_element_type3A, %eq3A_291 : vector<128x1024xf32>
    %jit3A_293 = arith.constant 3.000000e+38 : f32
    %broadcast_in_dim3A_294 = vector.broadcast %jit3A_293 : f32 to vector<128x1024xf32>
    %select_n3A_295 = arith.select %eq3A_292, %broadcast_in_dim3A_294, %select_n3A_279 : vector<128x1024xi1>, vector<128x1024xf32>
    %reduce_min3A_296 = arith.constant dense<0x7F800000> : vector<128xf32>
    %reduce_min3A_297 = vector.multi_reduction <minimumf>, %select_n3A_295, %reduce_min3A_296 [1] : vector<128x1024xf32> to vector<128xf32>
    %broadcast_in_dim3A_298 = vector.shape_cast %reduce_min3A_297 : vector<128xf32> to vector<128x1xf32>
    %le3A_299 = vector.broadcast %broadcast_in_dim3A_298 : vector<128x1xf32> to vector<128x1024xf32>
    %le3A_300 = arith.cmpf ole, %select_n3A_295, %le3A_299 : vector<128x1024xf32>
    %jit3A_301 = arith.constant 2.048000e+03 : f32
    %broadcast_in_dim3A_302 = vector.broadcast %jit3A_301 : f32 to vector<128x1024xf32>
    %select_n3A_303 = arith.select %le3A_300, %convert_element_type3A, %broadcast_in_dim3A_302 : vector<128x1024xi1>, vector<128x1024xf32>
    %reduce_min3A_304 = arith.constant dense<0x7F800000> : vector<128xf32>
    %reduce_min3A_305 = vector.multi_reduction <minimumf>, %select_n3A_303, %reduce_min3A_304 [1] : vector<128x1024xf32> to vector<128xf32>
    %broadcast_in_dim3A_306 = vector.shape_cast %reduce_min3A_305 : vector<128xf32> to vector<128x1xf32>
    %eq3A_307 = vector.broadcast %broadcast_in_dim3A_306 : vector<128x1xf32> to vector<128x1024xf32>
    %eq3A_308 = arith.cmpf oeq, %convert_element_type3A, %eq3A_307 : vector<128x1024xf32>
    %jit3A_309 = arith.constant 3.000000e+38 : f32
    %broadcast_in_dim3A_310 = vector.broadcast %jit3A_309 : f32 to vector<128x1024xf32>
    %select_n3A_311 = arith.select %eq3A_308, %broadcast_in_dim3A_310, %select_n3A_295 : vector<128x1024xi1>, vector<128x1024xf32>
    %reduce_min3A_312 = arith.constant dense<0x7F800000> : vector<128xf32>
    %reduce_min3A_313 = vector.multi_reduction <minimumf>, %select_n3A_311, %reduce_min3A_312 [1] : vector<128x1024xf32> to vector<128xf32>
    %broadcast_in_dim3A_314 = vector.shape_cast %reduce_min3A_313 : vector<128xf32> to vector<128x1xf32>
    %le3A_315 = vector.broadcast %broadcast_in_dim3A_314 : vector<128x1xf32> to vector<128x1024xf32>
    %le3A_316 = arith.cmpf ole, %select_n3A_311, %le3A_315 : vector<128x1024xf32>
    %jit3A_317 = arith.constant 2.048000e+03 : f32
    %broadcast_in_dim3A_318 = vector.broadcast %jit3A_317 : f32 to vector<128x1024xf32>
    %select_n3A_319 = arith.select %le3A_316, %convert_element_type3A, %broadcast_in_dim3A_318 : vector<128x1024xi1>, vector<128x1024xf32>
    %reduce_min3A_320 = arith.constant dense<0x7F800000> : vector<128xf32>
    %reduce_min3A_321 = vector.multi_reduction <minimumf>, %select_n3A_319, %reduce_min3A_320 [1] : vector<128x1024xf32> to vector<128xf32>
    %broadcast_in_dim3A_322 = vector.shape_cast %reduce_min3A_321 : vector<128xf32> to vector<128x1xf32>
    %eq3A_323 = vector.broadcast %broadcast_in_dim3A_322 : vector<128x1xf32> to vector<128x1024xf32>
    %eq3A_324 = arith.cmpf oeq, %convert_element_type3A, %eq3A_323 : vector<128x1024xf32>
    %jit3A_325 = arith.constant 3.000000e+38 : f32
    %broadcast_in_dim3A_326 = vector.broadcast %jit3A_325 : f32 to vector<128x1024xf32>
    %select_n3A_327 = arith.select %eq3A_324, %broadcast_in_dim3A_326, %select_n3A_311 : vector<128x1024xi1>, vector<128x1024xf32>
    %reduce_min3A_328 = arith.constant dense<0x7F800000> : vector<128xf32>
    %reduce_min3A_329 = vector.multi_reduction <minimumf>, %select_n3A_327, %reduce_min3A_328 [1] : vector<128x1024xf32> to vector<128xf32>
    %broadcast_in_dim3A_330 = vector.shape_cast %reduce_min3A_329 : vector<128xf32> to vector<128x1xf32>
    %le3A_331 = vector.broadcast %broadcast_in_dim3A_330 : vector<128x1xf32> to vector<128x1024xf32>
    %le3A_332 = arith.cmpf ole, %select_n3A_327, %le3A_331 : vector<128x1024xf32>
    %jit3A_333 = arith.constant 2.048000e+03 : f32
    %broadcast_in_dim3A_334 = vector.broadcast %jit3A_333 : f32 to vector<128x1024xf32>
    %select_n3A_335 = arith.select %le3A_332, %convert_element_type3A, %broadcast_in_dim3A_334 : vector<128x1024xi1>, vector<128x1024xf32>
    %reduce_min3A_336 = arith.constant dense<0x7F800000> : vector<128xf32>
    %reduce_min3A_337 = vector.multi_reduction <minimumf>, %select_n3A_335, %reduce_min3A_336 [1] : vector<128x1024xf32> to vector<128xf32>
    %broadcast_in_dim3A_338 = vector.shape_cast %reduce_min3A_337 : vector<128xf32> to vector<128x1xf32>
    %eq3A_339 = vector.broadcast %broadcast_in_dim3A_338 : vector<128x1xf32> to vector<128x1024xf32>
    %eq3A_340 = arith.cmpf oeq, %convert_element_type3A, %eq3A_339 : vector<128x1024xf32>
    %jit3A_341 = arith.constant 3.000000e+38 : f32
    %broadcast_in_dim3A_342 = vector.broadcast %jit3A_341 : f32 to vector<128x1024xf32>
    %select_n3A_343 = arith.select %eq3A_340, %broadcast_in_dim3A_342, %select_n3A_327 : vector<128x1024xi1>, vector<128x1024xf32>
    %reduce_min3A_344 = arith.constant dense<0x7F800000> : vector<128xf32>
    %reduce_min3A_345 = vector.multi_reduction <minimumf>, %select_n3A_343, %reduce_min3A_344 [1] : vector<128x1024xf32> to vector<128xf32>
    %broadcast_in_dim3A_346 = vector.shape_cast %reduce_min3A_345 : vector<128xf32> to vector<128x1xf32>
    %le3A_347 = vector.broadcast %broadcast_in_dim3A_346 : vector<128x1xf32> to vector<128x1024xf32>
    %le3A_348 = arith.cmpf ole, %select_n3A_343, %le3A_347 : vector<128x1024xf32>
    %jit3A_349 = arith.constant 2.048000e+03 : f32
    %broadcast_in_dim3A_350 = vector.broadcast %jit3A_349 : f32 to vector<128x1024xf32>
    %select_n3A_351 = arith.select %le3A_348, %convert_element_type3A, %broadcast_in_dim3A_350 : vector<128x1024xi1>, vector<128x1024xf32>
    %reduce_min3A_352 = arith.constant dense<0x7F800000> : vector<128xf32>
    %reduce_min3A_353 = vector.multi_reduction <minimumf>, %select_n3A_351, %reduce_min3A_352 [1] : vector<128x1024xf32> to vector<128xf32>
    %broadcast_in_dim3A_354 = vector.shape_cast %reduce_min3A_353 : vector<128xf32> to vector<128x1xf32>
    %eq3A_355 = vector.broadcast %broadcast_in_dim3A_354 : vector<128x1xf32> to vector<128x1024xf32>
    %eq3A_356 = arith.cmpf oeq, %convert_element_type3A, %eq3A_355 : vector<128x1024xf32>
    %jit3A_357 = arith.constant 3.000000e+38 : f32
    %broadcast_in_dim3A_358 = vector.broadcast %jit3A_357 : f32 to vector<128x1024xf32>
    %select_n3A_359 = arith.select %eq3A_356, %broadcast_in_dim3A_358, %select_n3A_343 : vector<128x1024xi1>, vector<128x1024xf32>
    %reduce_min3A_360 = arith.constant dense<0x7F800000> : vector<128xf32>
    %reduce_min3A_361 = vector.multi_reduction <minimumf>, %select_n3A_359, %reduce_min3A_360 [1] : vector<128x1024xf32> to vector<128xf32>
    %broadcast_in_dim3A_362 = vector.shape_cast %reduce_min3A_361 : vector<128xf32> to vector<128x1xf32>
    %le3A_363 = vector.broadcast %broadcast_in_dim3A_362 : vector<128x1xf32> to vector<128x1024xf32>
    %le3A_364 = arith.cmpf ole, %select_n3A_359, %le3A_363 : vector<128x1024xf32>
    %jit3A_365 = arith.constant 2.048000e+03 : f32
    %broadcast_in_dim3A_366 = vector.broadcast %jit3A_365 : f32 to vector<128x1024xf32>
    %select_n3A_367 = arith.select %le3A_364, %convert_element_type3A, %broadcast_in_dim3A_366 : vector<128x1024xi1>, vector<128x1024xf32>
    %reduce_min3A_368 = arith.constant dense<0x7F800000> : vector<128xf32>
    %reduce_min3A_369 = vector.multi_reduction <minimumf>, %select_n3A_367, %reduce_min3A_368 [1] : vector<128x1024xf32> to vector<128xf32>
    %broadcast_in_dim3A_370 = vector.shape_cast %reduce_min3A_369 : vector<128xf32> to vector<128x1xf32>
    %eq3A_371 = vector.broadcast %broadcast_in_dim3A_370 : vector<128x1xf32> to vector<128x1024xf32>
    %eq3A_372 = arith.cmpf oeq, %convert_element_type3A, %eq3A_371 : vector<128x1024xf32>
    %jit3A_373 = arith.constant 3.000000e+38 : f32
    %broadcast_in_dim3A_374 = vector.broadcast %jit3A_373 : f32 to vector<128x1024xf32>
    %select_n3A_375 = arith.select %eq3A_372, %broadcast_in_dim3A_374, %select_n3A_359 : vector<128x1024xi1>, vector<128x1024xf32>
    %reduce_min3A_376 = arith.constant dense<0x7F800000> : vector<128xf32>
    %reduce_min3A_377 = vector.multi_reduction <minimumf>, %select_n3A_375, %reduce_min3A_376 [1] : vector<128x1024xf32> to vector<128xf32>
    %broadcast_in_dim3A_378 = vector.shape_cast %reduce_min3A_377 : vector<128xf32> to vector<128x1xf32>
    %le3A_379 = vector.broadcast %broadcast_in_dim3A_378 : vector<128x1xf32> to vector<128x1024xf32>
    %le3A_380 = arith.cmpf ole, %select_n3A_375, %le3A_379 : vector<128x1024xf32>
    %jit3A_381 = arith.constant 2.048000e+03 : f32
    %broadcast_in_dim3A_382 = vector.broadcast %jit3A_381 : f32 to vector<128x1024xf32>
    %select_n3A_383 = arith.select %le3A_380, %convert_element_type3A, %broadcast_in_dim3A_382 : vector<128x1024xi1>, vector<128x1024xf32>
    %reduce_min3A_384 = arith.constant dense<0x7F800000> : vector<128xf32>
    %reduce_min3A_385 = vector.multi_reduction <minimumf>, %select_n3A_383, %reduce_min3A_384 [1] : vector<128x1024xf32> to vector<128xf32>
    %broadcast_in_dim3A_386 = vector.shape_cast %reduce_min3A_385 : vector<128xf32> to vector<128x1xf32>
    %eq3A_387 = vector.broadcast %broadcast_in_dim3A_386 : vector<128x1xf32> to vector<128x1024xf32>
    %eq3A_388 = arith.cmpf oeq, %convert_element_type3A, %eq3A_387 : vector<128x1024xf32>
    %jit3A_389 = arith.constant 3.000000e+38 : f32
    %broadcast_in_dim3A_390 = vector.broadcast %jit3A_389 : f32 to vector<128x1024xf32>
    %select_n3A_391 = arith.select %eq3A_388, %broadcast_in_dim3A_390, %select_n3A_375 : vector<128x1024xi1>, vector<128x1024xf32>
    %reduce_min3A_392 = arith.constant dense<0x7F800000> : vector<128xf32>
    %reduce_min3A_393 = vector.multi_reduction <minimumf>, %select_n3A_391, %reduce_min3A_392 [1] : vector<128x1024xf32> to vector<128xf32>
    %broadcast_in_dim3A_394 = vector.shape_cast %reduce_min3A_393 : vector<128xf32> to vector<128x1xf32>
    %le3A_395 = vector.broadcast %broadcast_in_dim3A_394 : vector<128x1xf32> to vector<128x1024xf32>
    %le3A_396 = arith.cmpf ole, %select_n3A_391, %le3A_395 : vector<128x1024xf32>
    %jit3A_397 = arith.constant 2.048000e+03 : f32
    %broadcast_in_dim3A_398 = vector.broadcast %jit3A_397 : f32 to vector<128x1024xf32>
    %select_n3A_399 = arith.select %le3A_396, %convert_element_type3A, %broadcast_in_dim3A_398 : vector<128x1024xi1>, vector<128x1024xf32>
    %reduce_min3A_400 = arith.constant dense<0x7F800000> : vector<128xf32>
    %reduce_min3A_401 = vector.multi_reduction <minimumf>, %select_n3A_399, %reduce_min3A_400 [1] : vector<128x1024xf32> to vector<128xf32>
    %broadcast_in_dim3A_402 = vector.shape_cast %reduce_min3A_401 : vector<128xf32> to vector<128x1xf32>
    %eq3A_403 = vector.broadcast %broadcast_in_dim3A_402 : vector<128x1xf32> to vector<128x1024xf32>
    %eq3A_404 = arith.cmpf oeq, %convert_element_type3A, %eq3A_403 : vector<128x1024xf32>
    %jit3A_405 = arith.constant 3.000000e+38 : f32
    %broadcast_in_dim3A_406 = vector.broadcast %jit3A_405 : f32 to vector<128x1024xf32>
    %select_n3A_407 = arith.select %eq3A_404, %broadcast_in_dim3A_406, %select_n3A_391 : vector<128x1024xi1>, vector<128x1024xf32>
    %reduce_min3A_408 = arith.constant dense<0x7F800000> : vector<128xf32>
    %reduce_min3A_409 = vector.multi_reduction <minimumf>, %select_n3A_407, %reduce_min3A_408 [1] : vector<128x1024xf32> to vector<128xf32>
    %broadcast_in_dim3A_410 = vector.shape_cast %reduce_min3A_409 : vector<128xf32> to vector<128x1xf32>
    %le3A_411 = vector.broadcast %broadcast_in_dim3A_410 : vector<128x1xf32> to vector<128x1024xf32>
    %le3A_412 = arith.cmpf ole, %select_n3A_407, %le3A_411 : vector<128x1024xf32>
    %jit3A_413 = arith.constant 2.048000e+03 : f32
    %broadcast_in_dim3A_414 = vector.broadcast %jit3A_413 : f32 to vector<128x1024xf32>
    %select_n3A_415 = arith.select %le3A_412, %convert_element_type3A, %broadcast_in_dim3A_414 : vector<128x1024xi1>, vector<128x1024xf32>
    %reduce_min3A_416 = arith.constant dense<0x7F800000> : vector<128xf32>
    %reduce_min3A_417 = vector.multi_reduction <minimumf>, %select_n3A_415, %reduce_min3A_416 [1] : vector<128x1024xf32> to vector<128xf32>
    %broadcast_in_dim3A_418 = vector.shape_cast %reduce_min3A_417 : vector<128xf32> to vector<128x1xf32>
    %eq3A_419 = vector.broadcast %broadcast_in_dim3A_418 : vector<128x1xf32> to vector<128x1024xf32>
    %eq3A_420 = arith.cmpf oeq, %convert_element_type3A, %eq3A_419 : vector<128x1024xf32>
    %jit3A_421 = arith.constant 3.000000e+38 : f32
    %broadcast_in_dim3A_422 = vector.broadcast %jit3A_421 : f32 to vector<128x1024xf32>
    %select_n3A_423 = arith.select %eq3A_420, %broadcast_in_dim3A_422, %select_n3A_407 : vector<128x1024xi1>, vector<128x1024xf32>
    %reduce_min3A_424 = arith.constant dense<0x7F800000> : vector<128xf32>
    %reduce_min3A_425 = vector.multi_reduction <minimumf>, %select_n3A_423, %reduce_min3A_424 [1] : vector<128x1024xf32> to vector<128xf32>
    %broadcast_in_dim3A_426 = vector.shape_cast %reduce_min3A_425 : vector<128xf32> to vector<128x1xf32>
    %le3A_427 = vector.broadcast %broadcast_in_dim3A_426 : vector<128x1xf32> to vector<128x1024xf32>
    %le3A_428 = arith.cmpf ole, %select_n3A_423, %le3A_427 : vector<128x1024xf32>
    %jit3A_429 = arith.constant 2.048000e+03 : f32
    %broadcast_in_dim3A_430 = vector.broadcast %jit3A_429 : f32 to vector<128x1024xf32>
    %select_n3A_431 = arith.select %le3A_428, %convert_element_type3A, %broadcast_in_dim3A_430 : vector<128x1024xi1>, vector<128x1024xf32>
    %reduce_min3A_432 = arith.constant dense<0x7F800000> : vector<128xf32>
    %reduce_min3A_433 = vector.multi_reduction <minimumf>, %select_n3A_431, %reduce_min3A_432 [1] : vector<128x1024xf32> to vector<128xf32>
    %broadcast_in_dim3A_434 = vector.shape_cast %reduce_min3A_433 : vector<128xf32> to vector<128x1xf32>
    %eq3A_435 = vector.broadcast %broadcast_in_dim3A_434 : vector<128x1xf32> to vector<128x1024xf32>
    %eq3A_436 = arith.cmpf oeq, %convert_element_type3A, %eq3A_435 : vector<128x1024xf32>
    %jit3A_437 = arith.constant 3.000000e+38 : f32
    %broadcast_in_dim3A_438 = vector.broadcast %jit3A_437 : f32 to vector<128x1024xf32>
    %select_n3A_439 = arith.select %eq3A_436, %broadcast_in_dim3A_438, %select_n3A_423 : vector<128x1024xi1>, vector<128x1024xf32>
    %reduce_min3A_440 = arith.constant dense<0x7F800000> : vector<128xf32>
    %reduce_min3A_441 = vector.multi_reduction <minimumf>, %select_n3A_439, %reduce_min3A_440 [1] : vector<128x1024xf32> to vector<128xf32>
    %broadcast_in_dim3A_442 = vector.shape_cast %reduce_min3A_441 : vector<128xf32> to vector<128x1xf32>
    %le3A_443 = vector.broadcast %broadcast_in_dim3A_442 : vector<128x1xf32> to vector<128x1024xf32>
    %le3A_444 = arith.cmpf ole, %select_n3A_439, %le3A_443 : vector<128x1024xf32>
    %jit3A_445 = arith.constant 2.048000e+03 : f32
    %broadcast_in_dim3A_446 = vector.broadcast %jit3A_445 : f32 to vector<128x1024xf32>
    %select_n3A_447 = arith.select %le3A_444, %convert_element_type3A, %broadcast_in_dim3A_446 : vector<128x1024xi1>, vector<128x1024xf32>
    %reduce_min3A_448 = arith.constant dense<0x7F800000> : vector<128xf32>
    %reduce_min3A_449 = vector.multi_reduction <minimumf>, %select_n3A_447, %reduce_min3A_448 [1] : vector<128x1024xf32> to vector<128xf32>
    %broadcast_in_dim3A_450 = vector.shape_cast %reduce_min3A_449 : vector<128xf32> to vector<128x1xf32>
    %eq3A_451 = vector.broadcast %broadcast_in_dim3A_450 : vector<128x1xf32> to vector<128x1024xf32>
    %eq3A_452 = arith.cmpf oeq, %convert_element_type3A, %eq3A_451 : vector<128x1024xf32>
    %jit3A_453 = arith.constant 3.000000e+38 : f32
    %broadcast_in_dim3A_454 = vector.broadcast %jit3A_453 : f32 to vector<128x1024xf32>
    %select_n3A_455 = arith.select %eq3A_452, %broadcast_in_dim3A_454, %select_n3A_439 : vector<128x1024xi1>, vector<128x1024xf32>
    %reduce_min3A_456 = arith.constant dense<0x7F800000> : vector<128xf32>
    %reduce_min3A_457 = vector.multi_reduction <minimumf>, %select_n3A_455, %reduce_min3A_456 [1] : vector<128x1024xf32> to vector<128xf32>
    %broadcast_in_dim3A_458 = vector.shape_cast %reduce_min3A_457 : vector<128xf32> to vector<128x1xf32>
    %le3A_459 = vector.broadcast %broadcast_in_dim3A_458 : vector<128x1xf32> to vector<128x1024xf32>
    %le3A_460 = arith.cmpf ole, %select_n3A_455, %le3A_459 : vector<128x1024xf32>
    %jit3A_461 = arith.constant 2.048000e+03 : f32
    %broadcast_in_dim3A_462 = vector.broadcast %jit3A_461 : f32 to vector<128x1024xf32>
    %select_n3A_463 = arith.select %le3A_460, %convert_element_type3A, %broadcast_in_dim3A_462 : vector<128x1024xi1>, vector<128x1024xf32>
    %reduce_min3A_464 = arith.constant dense<0x7F800000> : vector<128xf32>
    %reduce_min3A_465 = vector.multi_reduction <minimumf>, %select_n3A_463, %reduce_min3A_464 [1] : vector<128x1024xf32> to vector<128xf32>
    %broadcast_in_dim3A_466 = vector.shape_cast %reduce_min3A_465 : vector<128xf32> to vector<128x1xf32>
    %eq3A_467 = vector.broadcast %broadcast_in_dim3A_466 : vector<128x1xf32> to vector<128x1024xf32>
    %eq3A_468 = arith.cmpf oeq, %convert_element_type3A, %eq3A_467 : vector<128x1024xf32>
    %jit3A_469 = arith.constant 3.000000e+38 : f32
    %broadcast_in_dim3A_470 = vector.broadcast %jit3A_469 : f32 to vector<128x1024xf32>
    %select_n3A_471 = arith.select %eq3A_468, %broadcast_in_dim3A_470, %select_n3A_455 : vector<128x1024xi1>, vector<128x1024xf32>
    %reduce_min3A_472 = arith.constant dense<0x7F800000> : vector<128xf32>
    %reduce_min3A_473 = vector.multi_reduction <minimumf>, %select_n3A_471, %reduce_min3A_472 [1] : vector<128x1024xf32> to vector<128xf32>
    %broadcast_in_dim3A_474 = vector.shape_cast %reduce_min3A_473 : vector<128xf32> to vector<128x1xf32>
    %le3A_475 = vector.broadcast %broadcast_in_dim3A_474 : vector<128x1xf32> to vector<128x1024xf32>
    %le3A_476 = arith.cmpf ole, %select_n3A_471, %le3A_475 : vector<128x1024xf32>
    %jit3A_477 = arith.constant 2.048000e+03 : f32
    %broadcast_in_dim3A_478 = vector.broadcast %jit3A_477 : f32 to vector<128x1024xf32>
    %select_n3A_479 = arith.select %le3A_476, %convert_element_type3A, %broadcast_in_dim3A_478 : vector<128x1024xi1>, vector<128x1024xf32>
    %reduce_min3A_480 = arith.constant dense<0x7F800000> : vector<128xf32>
    %reduce_min3A_481 = vector.multi_reduction <minimumf>, %select_n3A_479, %reduce_min3A_480 [1] : vector<128x1024xf32> to vector<128xf32>
    %broadcast_in_dim3A_482 = vector.shape_cast %reduce_min3A_481 : vector<128xf32> to vector<128x1xf32>
    %eq3A_483 = vector.broadcast %broadcast_in_dim3A_482 : vector<128x1xf32> to vector<128x1024xf32>
    %eq3A_484 = arith.cmpf oeq, %convert_element_type3A, %eq3A_483 : vector<128x1024xf32>
    %jit3A_485 = arith.constant 3.000000e+38 : f32
    %broadcast_in_dim3A_486 = vector.broadcast %jit3A_485 : f32 to vector<128x1024xf32>
    %select_n3A_487 = arith.select %eq3A_484, %broadcast_in_dim3A_486, %select_n3A_471 : vector<128x1024xi1>, vector<128x1024xf32>
    %reduce_min3A_488 = arith.constant dense<0x7F800000> : vector<128xf32>
    %reduce_min3A_489 = vector.multi_reduction <minimumf>, %select_n3A_487, %reduce_min3A_488 [1] : vector<128x1024xf32> to vector<128xf32>
    %broadcast_in_dim3A_490 = vector.shape_cast %reduce_min3A_489 : vector<128xf32> to vector<128x1xf32>
    %le3A_491 = vector.broadcast %broadcast_in_dim3A_490 : vector<128x1xf32> to vector<128x1024xf32>
    %le3A_492 = arith.cmpf ole, %select_n3A_487, %le3A_491 : vector<128x1024xf32>
    %jit3A_493 = arith.constant 2.048000e+03 : f32
    %broadcast_in_dim3A_494 = vector.broadcast %jit3A_493 : f32 to vector<128x1024xf32>
    %select_n3A_495 = arith.select %le3A_492, %convert_element_type3A, %broadcast_in_dim3A_494 : vector<128x1024xi1>, vector<128x1024xf32>
    %reduce_min3A_496 = arith.constant dense<0x7F800000> : vector<128xf32>
    %reduce_min3A_497 = vector.multi_reduction <minimumf>, %select_n3A_495, %reduce_min3A_496 [1] : vector<128x1024xf32> to vector<128xf32>
    %broadcast_in_dim3A_498 = vector.shape_cast %reduce_min3A_497 : vector<128xf32> to vector<128x1xf32>
    %eq3A_499 = vector.broadcast %broadcast_in_dim3A_498 : vector<128x1xf32> to vector<128x1024xf32>
    %eq3A_500 = arith.cmpf oeq, %convert_element_type3A, %eq3A_499 : vector<128x1024xf32>
    %jit3A_501 = arith.constant 3.000000e+38 : f32
    %broadcast_in_dim3A_502 = vector.broadcast %jit3A_501 : f32 to vector<128x1024xf32>
    %select_n3A_503 = arith.select %eq3A_500, %broadcast_in_dim3A_502, %select_n3A_487 : vector<128x1024xi1>, vector<128x1024xf32>
    %reduce_min3A_504 = arith.constant dense<0x7F800000> : vector<128xf32>
    %reduce_min3A_505 = vector.multi_reduction <minimumf>, %select_n3A_503, %reduce_min3A_504 [1] : vector<128x1024xf32> to vector<128xf32>
    %broadcast_in_dim3A_506 = vector.shape_cast %reduce_min3A_505 : vector<128xf32> to vector<128x1xf32>
    %le3A_507 = vector.broadcast %broadcast_in_dim3A_506 : vector<128x1xf32> to vector<128x1024xf32>
    %le3A_508 = arith.cmpf ole, %select_n3A_503, %le3A_507 : vector<128x1024xf32>
    %jit3A_509 = arith.constant 2.048000e+03 : f32
    %broadcast_in_dim3A_510 = vector.broadcast %jit3A_509 : f32 to vector<128x1024xf32>
    %select_n3A_511 = arith.select %le3A_508, %convert_element_type3A, %broadcast_in_dim3A_510 : vector<128x1024xi1>, vector<128x1024xf32>
    %reduce_min3A_512 = arith.constant dense<0x7F800000> : vector<128xf32>
    %reduce_min3A_513 = vector.multi_reduction <minimumf>, %select_n3A_511, %reduce_min3A_512 [1] : vector<128x1024xf32> to vector<128xf32>
    %broadcast_in_dim3A_514 = vector.shape_cast %reduce_min3A_513 : vector<128xf32> to vector<128x1xf32>
    %eq3A_515 = vector.broadcast %broadcast_in_dim3A_514 : vector<128x1xf32> to vector<128x1024xf32>
    %eq3A_516 = arith.cmpf oeq, %convert_element_type3A, %eq3A_515 : vector<128x1024xf32>
    %jit3A_517 = arith.constant 3.000000e+38 : f32
    %broadcast_in_dim3A_518 = vector.broadcast %jit3A_517 : f32 to vector<128x1024xf32>
    %select_n3A_519 = arith.select %eq3A_516, %broadcast_in_dim3A_518, %select_n3A_503 : vector<128x1024xi1>, vector<128x1024xf32>
    %reduce_min3A_520 = arith.constant dense<0x7F800000> : vector<128xf32>
    %reduce_min3A_521 = vector.multi_reduction <minimumf>, %select_n3A_519, %reduce_min3A_520 [1] : vector<128x1024xf32> to vector<128xf32>
    %broadcast_in_dim3A_522 = vector.shape_cast %reduce_min3A_521 : vector<128xf32> to vector<128x1xf32>
    %le3A_523 = vector.broadcast %broadcast_in_dim3A_522 : vector<128x1xf32> to vector<128x1024xf32>
    %le3A_524 = arith.cmpf ole, %select_n3A_519, %le3A_523 : vector<128x1024xf32>
    %jit3A_525 = arith.constant 2.048000e+03 : f32
    %broadcast_in_dim3A_526 = vector.broadcast %jit3A_525 : f32 to vector<128x1024xf32>
    %select_n3A_527 = arith.select %le3A_524, %convert_element_type3A, %broadcast_in_dim3A_526 : vector<128x1024xi1>, vector<128x1024xf32>
    %reduce_min3A_528 = arith.constant dense<0x7F800000> : vector<128xf32>
    %reduce_min3A_529 = vector.multi_reduction <minimumf>, %select_n3A_527, %reduce_min3A_528 [1] : vector<128x1024xf32> to vector<128xf32>
    %broadcast_in_dim3A_530 = vector.shape_cast %reduce_min3A_529 : vector<128xf32> to vector<128x1xf32>
    %eq3A_531 = vector.broadcast %broadcast_in_dim3A_530 : vector<128x1xf32> to vector<128x1024xf32>
    %eq3A_532 = arith.cmpf oeq, %convert_element_type3A, %eq3A_531 : vector<128x1024xf32>
    %jit3A_533 = arith.constant 3.000000e+38 : f32
    %broadcast_in_dim3A_534 = vector.broadcast %jit3A_533 : f32 to vector<128x1024xf32>
    %select_n3A_535 = arith.select %eq3A_532, %broadcast_in_dim3A_534, %select_n3A_519 : vector<128x1024xi1>, vector<128x1024xf32>
    %reduce_min3A_536 = arith.constant dense<0x7F800000> : vector<128xf32>
    %reduce_min3A_537 = vector.multi_reduction <minimumf>, %select_n3A_535, %reduce_min3A_536 [1] : vector<128x1024xf32> to vector<128xf32>
    %broadcast_in_dim3A_538 = vector.shape_cast %reduce_min3A_537 : vector<128xf32> to vector<128x1xf32>
    %le3A_539 = vector.broadcast %broadcast_in_dim3A_538 : vector<128x1xf32> to vector<128x1024xf32>
    %le3A_540 = arith.cmpf ole, %select_n3A_535, %le3A_539 : vector<128x1024xf32>
    %jit3A_541 = arith.constant 2.048000e+03 : f32
    %broadcast_in_dim3A_542 = vector.broadcast %jit3A_541 : f32 to vector<128x1024xf32>
    %select_n3A_543 = arith.select %le3A_540, %convert_element_type3A, %broadcast_in_dim3A_542 : vector<128x1024xi1>, vector<128x1024xf32>
    %reduce_min3A_544 = arith.constant dense<0x7F800000> : vector<128xf32>
    %reduce_min3A_545 = vector.multi_reduction <minimumf>, %select_n3A_543, %reduce_min3A_544 [1] : vector<128x1024xf32> to vector<128xf32>
    %broadcast_in_dim3A_546 = vector.shape_cast %reduce_min3A_545 : vector<128xf32> to vector<128x1xf32>
    %eq3A_547 = vector.broadcast %broadcast_in_dim3A_546 : vector<128x1xf32> to vector<128x1024xf32>
    %eq3A_548 = arith.cmpf oeq, %convert_element_type3A, %eq3A_547 : vector<128x1024xf32>
    %jit3A_549 = arith.constant 3.000000e+38 : f32
    %broadcast_in_dim3A_550 = vector.broadcast %jit3A_549 : f32 to vector<128x1024xf32>
    %select_n3A_551 = arith.select %eq3A_548, %broadcast_in_dim3A_550, %select_n3A_535 : vector<128x1024xi1>, vector<128x1024xf32>
    %reduce_min3A_552 = arith.constant dense<0x7F800000> : vector<128xf32>
    %reduce_min3A_553 = vector.multi_reduction <minimumf>, %select_n3A_551, %reduce_min3A_552 [1] : vector<128x1024xf32> to vector<128xf32>
    %broadcast_in_dim3A_554 = vector.shape_cast %reduce_min3A_553 : vector<128xf32> to vector<128x1xf32>
    %le3A_555 = vector.broadcast %broadcast_in_dim3A_554 : vector<128x1xf32> to vector<128x1024xf32>
    %le3A_556 = arith.cmpf ole, %select_n3A_551, %le3A_555 : vector<128x1024xf32>
    %jit3A_557 = arith.constant 2.048000e+03 : f32
    %broadcast_in_dim3A_558 = vector.broadcast %jit3A_557 : f32 to vector<128x1024xf32>
    %select_n3A_559 = arith.select %le3A_556, %convert_element_type3A, %broadcast_in_dim3A_558 : vector<128x1024xi1>, vector<128x1024xf32>
    %reduce_min3A_560 = arith.constant dense<0x7F800000> : vector<128xf32>
    %reduce_min3A_561 = vector.multi_reduction <minimumf>, %select_n3A_559, %reduce_min3A_560 [1] : vector<128x1024xf32> to vector<128xf32>
    %broadcast_in_dim3A_562 = vector.shape_cast %reduce_min3A_561 : vector<128xf32> to vector<128x1xf32>
    %eq3A_563 = vector.broadcast %broadcast_in_dim3A_562 : vector<128x1xf32> to vector<128x1024xf32>
    %eq3A_564 = arith.cmpf oeq, %convert_element_type3A, %eq3A_563 : vector<128x1024xf32>
    %jit3A_565 = arith.constant 3.000000e+38 : f32
    %broadcast_in_dim3A_566 = vector.broadcast %jit3A_565 : f32 to vector<128x1024xf32>
    %select_n3A_567 = arith.select %eq3A_564, %broadcast_in_dim3A_566, %select_n3A_551 : vector<128x1024xi1>, vector<128x1024xf32>
    %reduce_min3A_568 = arith.constant dense<0x7F800000> : vector<128xf32>
    %reduce_min3A_569 = vector.multi_reduction <minimumf>, %select_n3A_567, %reduce_min3A_568 [1] : vector<128x1024xf32> to vector<128xf32>
    %broadcast_in_dim3A_570 = vector.shape_cast %reduce_min3A_569 : vector<128xf32> to vector<128x1xf32>
    %le3A_571 = vector.broadcast %broadcast_in_dim3A_570 : vector<128x1xf32> to vector<128x1024xf32>
    %le3A_572 = arith.cmpf ole, %select_n3A_567, %le3A_571 : vector<128x1024xf32>
    %jit3A_573 = arith.constant 2.048000e+03 : f32
    %broadcast_in_dim3A_574 = vector.broadcast %jit3A_573 : f32 to vector<128x1024xf32>
    %select_n3A_575 = arith.select %le3A_572, %convert_element_type3A, %broadcast_in_dim3A_574 : vector<128x1024xi1>, vector<128x1024xf32>
    %reduce_min3A_576 = arith.constant dense<0x7F800000> : vector<128xf32>
    %reduce_min3A_577 = vector.multi_reduction <minimumf>, %select_n3A_575, %reduce_min3A_576 [1] : vector<128x1024xf32> to vector<128xf32>
    %broadcast_in_dim3A_578 = vector.shape_cast %reduce_min3A_577 : vector<128xf32> to vector<128x1xf32>
    %eq3A_579 = vector.broadcast %broadcast_in_dim3A_578 : vector<128x1xf32> to vector<128x1024xf32>
    %eq3A_580 = arith.cmpf oeq, %convert_element_type3A, %eq3A_579 : vector<128x1024xf32>
    %jit3A_581 = arith.constant 3.000000e+38 : f32
    %broadcast_in_dim3A_582 = vector.broadcast %jit3A_581 : f32 to vector<128x1024xf32>
    %select_n3A_583 = arith.select %eq3A_580, %broadcast_in_dim3A_582, %select_n3A_567 : vector<128x1024xi1>, vector<128x1024xf32>
    %reduce_min3A_584 = arith.constant dense<0x7F800000> : vector<128xf32>
    %reduce_min3A_585 = vector.multi_reduction <minimumf>, %select_n3A_583, %reduce_min3A_584 [1] : vector<128x1024xf32> to vector<128xf32>
    %broadcast_in_dim3A_586 = vector.shape_cast %reduce_min3A_585 : vector<128xf32> to vector<128x1xf32>
    %le3A_587 = vector.broadcast %broadcast_in_dim3A_586 : vector<128x1xf32> to vector<128x1024xf32>
    %le3A_588 = arith.cmpf ole, %select_n3A_583, %le3A_587 : vector<128x1024xf32>
    %jit3A_589 = arith.constant 2.048000e+03 : f32
    %broadcast_in_dim3A_590 = vector.broadcast %jit3A_589 : f32 to vector<128x1024xf32>
    %select_n3A_591 = arith.select %le3A_588, %convert_element_type3A, %broadcast_in_dim3A_590 : vector<128x1024xi1>, vector<128x1024xf32>
    %reduce_min3A_592 = arith.constant dense<0x7F800000> : vector<128xf32>
    %reduce_min3A_593 = vector.multi_reduction <minimumf>, %select_n3A_591, %reduce_min3A_592 [1] : vector<128x1024xf32> to vector<128xf32>
    %broadcast_in_dim3A_594 = vector.shape_cast %reduce_min3A_593 : vector<128xf32> to vector<128x1xf32>
    %eq3A_595 = vector.broadcast %broadcast_in_dim3A_594 : vector<128x1xf32> to vector<128x1024xf32>
    %eq3A_596 = arith.cmpf oeq, %convert_element_type3A, %eq3A_595 : vector<128x1024xf32>
    %jit3A_597 = arith.constant 3.000000e+38 : f32
    %broadcast_in_dim3A_598 = vector.broadcast %jit3A_597 : f32 to vector<128x1024xf32>
    %select_n3A_599 = arith.select %eq3A_596, %broadcast_in_dim3A_598, %select_n3A_583 : vector<128x1024xi1>, vector<128x1024xf32>
    %reduce_min3A_600 = arith.constant dense<0x7F800000> : vector<128xf32>
    %reduce_min3A_601 = vector.multi_reduction <minimumf>, %select_n3A_599, %reduce_min3A_600 [1] : vector<128x1024xf32> to vector<128xf32>
    %broadcast_in_dim3A_602 = vector.shape_cast %reduce_min3A_601 : vector<128xf32> to vector<128x1xf32>
    %le3A_603 = vector.broadcast %broadcast_in_dim3A_602 : vector<128x1xf32> to vector<128x1024xf32>
    %le3A_604 = arith.cmpf ole, %select_n3A_599, %le3A_603 : vector<128x1024xf32>
    %jit3A_605 = arith.constant 2.048000e+03 : f32
    %broadcast_in_dim3A_606 = vector.broadcast %jit3A_605 : f32 to vector<128x1024xf32>
    %select_n3A_607 = arith.select %le3A_604, %convert_element_type3A, %broadcast_in_dim3A_606 : vector<128x1024xi1>, vector<128x1024xf32>
    %reduce_min3A_608 = arith.constant dense<0x7F800000> : vector<128xf32>
    %reduce_min3A_609 = vector.multi_reduction <minimumf>, %select_n3A_607, %reduce_min3A_608 [1] : vector<128x1024xf32> to vector<128xf32>
    %broadcast_in_dim3A_610 = vector.shape_cast %reduce_min3A_609 : vector<128xf32> to vector<128x1xf32>
    %eq3A_611 = vector.broadcast %broadcast_in_dim3A_610 : vector<128x1xf32> to vector<128x1024xf32>
    %eq3A_612 = arith.cmpf oeq, %convert_element_type3A, %eq3A_611 : vector<128x1024xf32>
    %jit3A_613 = arith.constant 3.000000e+38 : f32
    %broadcast_in_dim3A_614 = vector.broadcast %jit3A_613 : f32 to vector<128x1024xf32>
    %select_n3A_615 = arith.select %eq3A_612, %broadcast_in_dim3A_614, %select_n3A_599 : vector<128x1024xi1>, vector<128x1024xf32>
    %reduce_min3A_616 = arith.constant dense<0x7F800000> : vector<128xf32>
    %reduce_min3A_617 = vector.multi_reduction <minimumf>, %select_n3A_615, %reduce_min3A_616 [1] : vector<128x1024xf32> to vector<128xf32>
    %broadcast_in_dim3A_618 = vector.shape_cast %reduce_min3A_617 : vector<128xf32> to vector<128x1xf32>
    %le3A_619 = vector.broadcast %broadcast_in_dim3A_618 : vector<128x1xf32> to vector<128x1024xf32>
    %le3A_620 = arith.cmpf ole, %select_n3A_615, %le3A_619 : vector<128x1024xf32>
    %jit3A_621 = arith.constant 2.048000e+03 : f32
    %broadcast_in_dim3A_622 = vector.broadcast %jit3A_621 : f32 to vector<128x1024xf32>
    %select_n3A_623 = arith.select %le3A_620, %convert_element_type3A, %broadcast_in_dim3A_622 : vector<128x1024xi1>, vector<128x1024xf32>
    %reduce_min3A_624 = arith.constant dense<0x7F800000> : vector<128xf32>
    %reduce_min3A_625 = vector.multi_reduction <minimumf>, %select_n3A_623, %reduce_min3A_624 [1] : vector<128x1024xf32> to vector<128xf32>
    %broadcast_in_dim3A_626 = vector.shape_cast %reduce_min3A_625 : vector<128xf32> to vector<128x1xf32>
    %eq3A_627 = vector.broadcast %broadcast_in_dim3A_626 : vector<128x1xf32> to vector<128x1024xf32>
    %eq3A_628 = arith.cmpf oeq, %convert_element_type3A, %eq3A_627 : vector<128x1024xf32>
    %jit3A_629 = arith.constant 3.000000e+38 : f32
    %broadcast_in_dim3A_630 = vector.broadcast %jit3A_629 : f32 to vector<128x1024xf32>
    %select_n3A_631 = arith.select %eq3A_628, %broadcast_in_dim3A_630, %select_n3A_615 : vector<128x1024xi1>, vector<128x1024xf32>
    %reduce_min3A_632 = arith.constant dense<0x7F800000> : vector<128xf32>
    %reduce_min3A_633 = vector.multi_reduction <minimumf>, %select_n3A_631, %reduce_min3A_632 [1] : vector<128x1024xf32> to vector<128xf32>
    %broadcast_in_dim3A_634 = vector.shape_cast %reduce_min3A_633 : vector<128xf32> to vector<128x1xf32>
    %le3A_635 = vector.broadcast %broadcast_in_dim3A_634 : vector<128x1xf32> to vector<128x1024xf32>
    %le3A_636 = arith.cmpf ole, %select_n3A_631, %le3A_635 : vector<128x1024xf32>
    %jit3A_637 = arith.constant 2.048000e+03 : f32
    %broadcast_in_dim3A_638 = vector.broadcast %jit3A_637 : f32 to vector<128x1024xf32>
    %select_n3A_639 = arith.select %le3A_636, %convert_element_type3A, %broadcast_in_dim3A_638 : vector<128x1024xi1>, vector<128x1024xf32>
    %reduce_min3A_640 = arith.constant dense<0x7F800000> : vector<128xf32>
    %reduce_min3A_641 = vector.multi_reduction <minimumf>, %select_n3A_639, %reduce_min3A_640 [1] : vector<128x1024xf32> to vector<128xf32>
    %broadcast_in_dim3A_642 = vector.shape_cast %reduce_min3A_641 : vector<128xf32> to vector<128x1xf32>
    %eq3A_643 = vector.broadcast %broadcast_in_dim3A_642 : vector<128x1xf32> to vector<128x1024xf32>
    %eq3A_644 = arith.cmpf oeq, %convert_element_type3A, %eq3A_643 : vector<128x1024xf32>
    %jit3A_645 = arith.constant 3.000000e+38 : f32
    %broadcast_in_dim3A_646 = vector.broadcast %jit3A_645 : f32 to vector<128x1024xf32>
    %select_n3A_647 = arith.select %eq3A_644, %broadcast_in_dim3A_646, %select_n3A_631 : vector<128x1024xi1>, vector<128x1024xf32>
    %reduce_min3A_648 = arith.constant dense<0x7F800000> : vector<128xf32>
    %reduce_min3A_649 = vector.multi_reduction <minimumf>, %select_n3A_647, %reduce_min3A_648 [1] : vector<128x1024xf32> to vector<128xf32>
    %broadcast_in_dim3A_650 = vector.shape_cast %reduce_min3A_649 : vector<128xf32> to vector<128x1xf32>
    %le3A_651 = vector.broadcast %broadcast_in_dim3A_650 : vector<128x1xf32> to vector<128x1024xf32>
    %le3A_652 = arith.cmpf ole, %select_n3A_647, %le3A_651 : vector<128x1024xf32>
    %jit3A_653 = arith.constant 2.048000e+03 : f32
    %broadcast_in_dim3A_654 = vector.broadcast %jit3A_653 : f32 to vector<128x1024xf32>
    %select_n3A_655 = arith.select %le3A_652, %convert_element_type3A, %broadcast_in_dim3A_654 : vector<128x1024xi1>, vector<128x1024xf32>
    %reduce_min3A_656 = arith.constant dense<0x7F800000> : vector<128xf32>
    %reduce_min3A_657 = vector.multi_reduction <minimumf>, %select_n3A_655, %reduce_min3A_656 [1] : vector<128x1024xf32> to vector<128xf32>
    %broadcast_in_dim3A_658 = vector.shape_cast %reduce_min3A_657 : vector<128xf32> to vector<128x1xf32>
    %eq3A_659 = vector.broadcast %broadcast_in_dim3A_658 : vector<128x1xf32> to vector<128x1024xf32>
    %eq3A_660 = arith.cmpf oeq, %convert_element_type3A, %eq3A_659 : vector<128x1024xf32>
    %jit3A_661 = arith.constant 3.000000e+38 : f32
    %broadcast_in_dim3A_662 = vector.broadcast %jit3A_661 : f32 to vector<128x1024xf32>
    %select_n3A_663 = arith.select %eq3A_660, %broadcast_in_dim3A_662, %select_n3A_647 : vector<128x1024xi1>, vector<128x1024xf32>
    %reduce_min3A_664 = arith.constant dense<0x7F800000> : vector<128xf32>
    %reduce_min3A_665 = vector.multi_reduction <minimumf>, %select_n3A_663, %reduce_min3A_664 [1] : vector<128x1024xf32> to vector<128xf32>
    %broadcast_in_dim3A_666 = vector.shape_cast %reduce_min3A_665 : vector<128xf32> to vector<128x1xf32>
    %le3A_667 = vector.broadcast %broadcast_in_dim3A_666 : vector<128x1xf32> to vector<128x1024xf32>
    %le3A_668 = arith.cmpf ole, %select_n3A_663, %le3A_667 : vector<128x1024xf32>
    %jit3A_669 = arith.constant 2.048000e+03 : f32
    %broadcast_in_dim3A_670 = vector.broadcast %jit3A_669 : f32 to vector<128x1024xf32>
    %select_n3A_671 = arith.select %le3A_668, %convert_element_type3A, %broadcast_in_dim3A_670 : vector<128x1024xi1>, vector<128x1024xf32>
    %reduce_min3A_672 = arith.constant dense<0x7F800000> : vector<128xf32>
    %reduce_min3A_673 = vector.multi_reduction <minimumf>, %select_n3A_671, %reduce_min3A_672 [1] : vector<128x1024xf32> to vector<128xf32>
    %broadcast_in_dim3A_674 = vector.shape_cast %reduce_min3A_673 : vector<128xf32> to vector<128x1xf32>
    %eq3A_675 = vector.broadcast %broadcast_in_dim3A_674 : vector<128x1xf32> to vector<128x1024xf32>
    %eq3A_676 = arith.cmpf oeq, %convert_element_type3A, %eq3A_675 : vector<128x1024xf32>
    %jit3A_677 = arith.constant 3.000000e+38 : f32
    %broadcast_in_dim3A_678 = vector.broadcast %jit3A_677 : f32 to vector<128x1024xf32>
    %select_n3A_679 = arith.select %eq3A_676, %broadcast_in_dim3A_678, %select_n3A_663 : vector<128x1024xi1>, vector<128x1024xf32>
    %reduce_min3A_680 = arith.constant dense<0x7F800000> : vector<128xf32>
    %reduce_min3A_681 = vector.multi_reduction <minimumf>, %select_n3A_679, %reduce_min3A_680 [1] : vector<128x1024xf32> to vector<128xf32>
    %broadcast_in_dim3A_682 = vector.shape_cast %reduce_min3A_681 : vector<128xf32> to vector<128x1xf32>
    %le3A_683 = vector.broadcast %broadcast_in_dim3A_682 : vector<128x1xf32> to vector<128x1024xf32>
    %le3A_684 = arith.cmpf ole, %select_n3A_679, %le3A_683 : vector<128x1024xf32>
    %jit3A_685 = arith.constant 2.048000e+03 : f32
    %broadcast_in_dim3A_686 = vector.broadcast %jit3A_685 : f32 to vector<128x1024xf32>
    %select_n3A_687 = arith.select %le3A_684, %convert_element_type3A, %broadcast_in_dim3A_686 : vector<128x1024xi1>, vector<128x1024xf32>
    %reduce_min3A_688 = arith.constant dense<0x7F800000> : vector<128xf32>
    %reduce_min3A_689 = vector.multi_reduction <minimumf>, %select_n3A_687, %reduce_min3A_688 [1] : vector<128x1024xf32> to vector<128xf32>
    %broadcast_in_dim3A_690 = vector.shape_cast %reduce_min3A_689 : vector<128xf32> to vector<128x1xf32>
    %eq3A_691 = vector.broadcast %broadcast_in_dim3A_690 : vector<128x1xf32> to vector<128x1024xf32>
    %eq3A_692 = arith.cmpf oeq, %convert_element_type3A, %eq3A_691 : vector<128x1024xf32>
    %jit3A_693 = arith.constant 3.000000e+38 : f32
    %broadcast_in_dim3A_694 = vector.broadcast %jit3A_693 : f32 to vector<128x1024xf32>
    %select_n3A_695 = arith.select %eq3A_692, %broadcast_in_dim3A_694, %select_n3A_679 : vector<128x1024xi1>, vector<128x1024xf32>
    %reduce_min3A_696 = arith.constant dense<0x7F800000> : vector<128xf32>
    %reduce_min3A_697 = vector.multi_reduction <minimumf>, %select_n3A_695, %reduce_min3A_696 [1] : vector<128x1024xf32> to vector<128xf32>
    %broadcast_in_dim3A_698 = vector.shape_cast %reduce_min3A_697 : vector<128xf32> to vector<128x1xf32>
    %le3A_699 = vector.broadcast %broadcast_in_dim3A_698 : vector<128x1xf32> to vector<128x1024xf32>
    %le3A_700 = arith.cmpf ole, %select_n3A_695, %le3A_699 : vector<128x1024xf32>
    %jit3A_701 = arith.constant 2.048000e+03 : f32
    %broadcast_in_dim3A_702 = vector.broadcast %jit3A_701 : f32 to vector<128x1024xf32>
    %select_n3A_703 = arith.select %le3A_700, %convert_element_type3A, %broadcast_in_dim3A_702 : vector<128x1024xi1>, vector<128x1024xf32>
    %reduce_min3A_704 = arith.constant dense<0x7F800000> : vector<128xf32>
    %reduce_min3A_705 = vector.multi_reduction <minimumf>, %select_n3A_703, %reduce_min3A_704 [1] : vector<128x1024xf32> to vector<128xf32>
    %broadcast_in_dim3A_706 = vector.shape_cast %reduce_min3A_705 : vector<128xf32> to vector<128x1xf32>
    %eq3A_707 = vector.broadcast %broadcast_in_dim3A_706 : vector<128x1xf32> to vector<128x1024xf32>
    %eq3A_708 = arith.cmpf oeq, %convert_element_type3A, %eq3A_707 : vector<128x1024xf32>
    %jit3A_709 = arith.constant 3.000000e+38 : f32
    %broadcast_in_dim3A_710 = vector.broadcast %jit3A_709 : f32 to vector<128x1024xf32>
    %select_n3A_711 = arith.select %eq3A_708, %broadcast_in_dim3A_710, %select_n3A_695 : vector<128x1024xi1>, vector<128x1024xf32>
    %reduce_min3A_712 = arith.constant dense<0x7F800000> : vector<128xf32>
    %reduce_min3A_713 = vector.multi_reduction <minimumf>, %select_n3A_711, %reduce_min3A_712 [1] : vector<128x1024xf32> to vector<128xf32>
    %broadcast_in_dim3A_714 = vector.shape_cast %reduce_min3A_713 : vector<128xf32> to vector<128x1xf32>
    %le3A_715 = vector.broadcast %broadcast_in_dim3A_714 : vector<128x1xf32> to vector<128x1024xf32>
    %le3A_716 = arith.cmpf ole, %select_n3A_711, %le3A_715 : vector<128x1024xf32>
    %jit3A_717 = arith.constant 2.048000e+03 : f32
    %broadcast_in_dim3A_718 = vector.broadcast %jit3A_717 : f32 to vector<128x1024xf32>
    %select_n3A_719 = arith.select %le3A_716, %convert_element_type3A, %broadcast_in_dim3A_718 : vector<128x1024xi1>, vector<128x1024xf32>
    %reduce_min3A_720 = arith.constant dense<0x7F800000> : vector<128xf32>
    %reduce_min3A_721 = vector.multi_reduction <minimumf>, %select_n3A_719, %reduce_min3A_720 [1] : vector<128x1024xf32> to vector<128xf32>
    %broadcast_in_dim3A_722 = vector.shape_cast %reduce_min3A_721 : vector<128xf32> to vector<128x1xf32>
    %eq3A_723 = vector.broadcast %broadcast_in_dim3A_722 : vector<128x1xf32> to vector<128x1024xf32>
    %eq3A_724 = arith.cmpf oeq, %convert_element_type3A, %eq3A_723 : vector<128x1024xf32>
    %jit3A_725 = arith.constant 3.000000e+38 : f32
    %broadcast_in_dim3A_726 = vector.broadcast %jit3A_725 : f32 to vector<128x1024xf32>
    %select_n3A_727 = arith.select %eq3A_724, %broadcast_in_dim3A_726, %select_n3A_711 : vector<128x1024xi1>, vector<128x1024xf32>
    %reduce_min3A_728 = arith.constant dense<0x7F800000> : vector<128xf32>
    %reduce_min3A_729 = vector.multi_reduction <minimumf>, %select_n3A_727, %reduce_min3A_728 [1] : vector<128x1024xf32> to vector<128xf32>
    %broadcast_in_dim3A_730 = vector.shape_cast %reduce_min3A_729 : vector<128xf32> to vector<128x1xf32>
    %le3A_731 = vector.broadcast %broadcast_in_dim3A_730 : vector<128x1xf32> to vector<128x1024xf32>
    %le3A_732 = arith.cmpf ole, %select_n3A_727, %le3A_731 : vector<128x1024xf32>
    %jit3A_733 = arith.constant 2.048000e+03 : f32
    %broadcast_in_dim3A_734 = vector.broadcast %jit3A_733 : f32 to vector<128x1024xf32>
    %select_n3A_735 = arith.select %le3A_732, %convert_element_type3A, %broadcast_in_dim3A_734 : vector<128x1024xi1>, vector<128x1024xf32>
    %reduce_min3A_736 = arith.constant dense<0x7F800000> : vector<128xf32>
    %reduce_min3A_737 = vector.multi_reduction <minimumf>, %select_n3A_735, %reduce_min3A_736 [1] : vector<128x1024xf32> to vector<128xf32>
    %broadcast_in_dim3A_738 = vector.shape_cast %reduce_min3A_737 : vector<128xf32> to vector<128x1xf32>
    %eq3A_739 = vector.broadcast %broadcast_in_dim3A_738 : vector<128x1xf32> to vector<128x1024xf32>
    %eq3A_740 = arith.cmpf oeq, %convert_element_type3A, %eq3A_739 : vector<128x1024xf32>
    %jit3A_741 = arith.constant 3.000000e+38 : f32
    %broadcast_in_dim3A_742 = vector.broadcast %jit3A_741 : f32 to vector<128x1024xf32>
    %select_n3A_743 = arith.select %eq3A_740, %broadcast_in_dim3A_742, %select_n3A_727 : vector<128x1024xi1>, vector<128x1024xf32>
    %reduce_min3A_744 = arith.constant dense<0x7F800000> : vector<128xf32>
    %reduce_min3A_745 = vector.multi_reduction <minimumf>, %select_n3A_743, %reduce_min3A_744 [1] : vector<128x1024xf32> to vector<128xf32>
    %broadcast_in_dim3A_746 = vector.shape_cast %reduce_min3A_745 : vector<128xf32> to vector<128x1xf32>
    %le3A_747 = vector.broadcast %broadcast_in_dim3A_746 : vector<128x1xf32> to vector<128x1024xf32>
    %le3A_748 = arith.cmpf ole, %select_n3A_743, %le3A_747 : vector<128x1024xf32>
    %jit3A_749 = arith.constant 2.048000e+03 : f32
    %broadcast_in_dim3A_750 = vector.broadcast %jit3A_749 : f32 to vector<128x1024xf32>
    %select_n3A_751 = arith.select %le3A_748, %convert_element_type3A, %broadcast_in_dim3A_750 : vector<128x1024xi1>, vector<128x1024xf32>
    %reduce_min3A_752 = arith.constant dense<0x7F800000> : vector<128xf32>
    %reduce_min3A_753 = vector.multi_reduction <minimumf>, %select_n3A_751, %reduce_min3A_752 [1] : vector<128x1024xf32> to vector<128xf32>
    %broadcast_in_dim3A_754 = vector.shape_cast %reduce_min3A_753 : vector<128xf32> to vector<128x1xf32>
    %eq3A_755 = vector.broadcast %broadcast_in_dim3A_754 : vector<128x1xf32> to vector<128x1024xf32>
    %eq3A_756 = arith.cmpf oeq, %convert_element_type3A, %eq3A_755 : vector<128x1024xf32>
    %jit3A_757 = arith.constant 3.000000e+38 : f32
    %broadcast_in_dim3A_758 = vector.broadcast %jit3A_757 : f32 to vector<128x1024xf32>
    %select_n3A_759 = arith.select %eq3A_756, %broadcast_in_dim3A_758, %select_n3A_743 : vector<128x1024xi1>, vector<128x1024xf32>
    %reduce_min3A_760 = arith.constant dense<0x7F800000> : vector<128xf32>
    %reduce_min3A_761 = vector.multi_reduction <minimumf>, %select_n3A_759, %reduce_min3A_760 [1] : vector<128x1024xf32> to vector<128xf32>
    %broadcast_in_dim3A_762 = vector.shape_cast %reduce_min3A_761 : vector<128xf32> to vector<128x1xf32>
    %le3A_763 = vector.broadcast %broadcast_in_dim3A_762 : vector<128x1xf32> to vector<128x1024xf32>
    %le3A_764 = arith.cmpf ole, %select_n3A_759, %le3A_763 : vector<128x1024xf32>
    %jit3A_765 = arith.constant 2.048000e+03 : f32
    %broadcast_in_dim3A_766 = vector.broadcast %jit3A_765 : f32 to vector<128x1024xf32>
    %select_n3A_767 = arith.select %le3A_764, %convert_element_type3A, %broadcast_in_dim3A_766 : vector<128x1024xi1>, vector<128x1024xf32>
    %reduce_min3A_768 = arith.constant dense<0x7F800000> : vector<128xf32>
    %reduce_min3A_769 = vector.multi_reduction <minimumf>, %select_n3A_767, %reduce_min3A_768 [1] : vector<128x1024xf32> to vector<128xf32>
    %broadcast_in_dim3A_770 = vector.shape_cast %reduce_min3A_769 : vector<128xf32> to vector<128x1xf32>
    %eq3A_771 = vector.broadcast %broadcast_in_dim3A_770 : vector<128x1xf32> to vector<128x1024xf32>
    %eq3A_772 = arith.cmpf oeq, %convert_element_type3A, %eq3A_771 : vector<128x1024xf32>
    %jit3A_773 = arith.constant 3.000000e+38 : f32
    %broadcast_in_dim3A_774 = vector.broadcast %jit3A_773 : f32 to vector<128x1024xf32>
    %select_n3A_775 = arith.select %eq3A_772, %broadcast_in_dim3A_774, %select_n3A_759 : vector<128x1024xi1>, vector<128x1024xf32>
    %reduce_min3A_776 = arith.constant dense<0x7F800000> : vector<128xf32>
    %reduce_min3A_777 = vector.multi_reduction <minimumf>, %select_n3A_775, %reduce_min3A_776 [1] : vector<128x1024xf32> to vector<128xf32>
    %broadcast_in_dim3A_778 = vector.shape_cast %reduce_min3A_777 : vector<128xf32> to vector<128x1xf32>
    %le3A_779 = vector.broadcast %broadcast_in_dim3A_778 : vector<128x1xf32> to vector<128x1024xf32>
    %le3A_780 = arith.cmpf ole, %select_n3A_775, %le3A_779 : vector<128x1024xf32>
    %jit3A_781 = arith.constant 2.048000e+03 : f32
    %broadcast_in_dim3A_782 = vector.broadcast %jit3A_781 : f32 to vector<128x1024xf32>
    %select_n3A_783 = arith.select %le3A_780, %convert_element_type3A, %broadcast_in_dim3A_782 : vector<128x1024xi1>, vector<128x1024xf32>
    %reduce_min3A_784 = arith.constant dense<0x7F800000> : vector<128xf32>
    %reduce_min3A_785 = vector.multi_reduction <minimumf>, %select_n3A_783, %reduce_min3A_784 [1] : vector<128x1024xf32> to vector<128xf32>
    %broadcast_in_dim3A_786 = vector.shape_cast %reduce_min3A_785 : vector<128xf32> to vector<128x1xf32>
    %eq3A_787 = vector.broadcast %broadcast_in_dim3A_786 : vector<128x1xf32> to vector<128x1024xf32>
    %eq3A_788 = arith.cmpf oeq, %convert_element_type3A, %eq3A_787 : vector<128x1024xf32>
    %jit3A_789 = arith.constant 3.000000e+38 : f32
    %broadcast_in_dim3A_790 = vector.broadcast %jit3A_789 : f32 to vector<128x1024xf32>
    %select_n3A_791 = arith.select %eq3A_788, %broadcast_in_dim3A_790, %select_n3A_775 : vector<128x1024xi1>, vector<128x1024xf32>
    %reduce_min3A_792 = arith.constant dense<0x7F800000> : vector<128xf32>
    %reduce_min3A_793 = vector.multi_reduction <minimumf>, %select_n3A_791, %reduce_min3A_792 [1] : vector<128x1024xf32> to vector<128xf32>
    %broadcast_in_dim3A_794 = vector.shape_cast %reduce_min3A_793 : vector<128xf32> to vector<128x1xf32>
    %le3A_795 = vector.broadcast %broadcast_in_dim3A_794 : vector<128x1xf32> to vector<128x1024xf32>
    %le3A_796 = arith.cmpf ole, %select_n3A_791, %le3A_795 : vector<128x1024xf32>
    %jit3A_797 = arith.constant 2.048000e+03 : f32
    %broadcast_in_dim3A_798 = vector.broadcast %jit3A_797 : f32 to vector<128x1024xf32>
    %select_n3A_799 = arith.select %le3A_796, %convert_element_type3A, %broadcast_in_dim3A_798 : vector<128x1024xi1>, vector<128x1024xf32>
    %reduce_min3A_800 = arith.constant dense<0x7F800000> : vector<128xf32>
    %reduce_min3A_801 = vector.multi_reduction <minimumf>, %select_n3A_799, %reduce_min3A_800 [1] : vector<128x1024xf32> to vector<128xf32>
    %broadcast_in_dim3A_802 = vector.shape_cast %reduce_min3A_801 : vector<128xf32> to vector<128x1xf32>
    %concatenate3A = tpu.concatenate %broadcast_in_dim3A_51, %broadcast_in_dim3A_66, %broadcast_in_dim3A_82, %broadcast_in_dim3A_98, %broadcast_in_dim3A_114, %broadcast_in_dim3A_130, %broadcast_in_dim3A_146, %broadcast_in_dim3A_162, %broadcast_in_dim3A_178, %broadcast_in_dim3A_194, %broadcast_in_dim3A_210, %broadcast_in_dim3A_226, %broadcast_in_dim3A_242, %broadcast_in_dim3A_258, %broadcast_in_dim3A_274, %broadcast_in_dim3A_290, %broadcast_in_dim3A_306, %broadcast_in_dim3A_322, %broadcast_in_dim3A_338, %broadcast_in_dim3A_354, %broadcast_in_dim3A_370, %broadcast_in_dim3A_386, %broadcast_in_dim3A_402, %broadcast_in_dim3A_418, %broadcast_in_dim3A_434, %broadcast_in_dim3A_450, %broadcast_in_dim3A_466, %broadcast_in_dim3A_482, %broadcast_in_dim3A_498, %broadcast_in_dim3A_514, %broadcast_in_dim3A_530, %broadcast_in_dim3A_546, %broadcast_in_dim3A_562, %broadcast_in_dim3A_578, %broadcast_in_dim3A_594, %broadcast_in_dim3A_610, %broadcast_in_dim3A_626, %broadcast_in_dim3A_642, %broadcast_in_dim3A_658, %broadcast_in_dim3A_674, %broadcast_in_dim3A_690, %broadcast_in_dim3A_706, %broadcast_in_dim3A_722, %broadcast_in_dim3A_738, %broadcast_in_dim3A_754, %broadcast_in_dim3A_770, %broadcast_in_dim3A_786, %broadcast_in_dim3A_802 in 1 : vector<128x1xf32>, vector<128x1xf32>, vector<128x1xf32>, vector<128x1xf32>, vector<128x1xf32>, vector<128x1xf32>, vector<128x1xf32>, vector<128x1xf32>, vector<128x1xf32>, vector<128x1xf32>, vector<128x1xf32>, vector<128x1xf32>, vector<128x1xf32>, vector<128x1xf32>, vector<128x1xf32>, vector<128x1xf32>, vector<128x1xf32>, vector<128x1xf32>, vector<128x1xf32>, vector<128x1xf32>, vector<128x1xf32>, vector<128x1xf32>, vector<128x1xf32>, vector<128x1xf32>, vector<128x1xf32>, vector<128x1xf32>, vector<128x1xf32>, vector<128x1xf32>, vector<128x1xf32>, vector<128x1xf32>, vector<128x1xf32>, vector<128x1xf32>, vector<128x1xf32>, vector<128x1xf32>, vector<128x1xf32>, vector<128x1xf32>, vector<128x1xf32>, vector<128x1xf32>, vector<128x1xf32>, vector<128x1xf32>, vector<128x1xf32>, vector<128x1xf32>, vector<128x1xf32>, vector<128x1xf32>, vector<128x1xf32>, vector<128x1xf32>, vector<128x1xf32>, vector<128x1xf32> -> vector<128x48xf32>
    %convert_element_type3A_803 = arith.fptosi %concatenate3A : vector<128x48xf32> to vector<128x48xi32>
    %mul3A_804 = arith.constant 1024 : i32
    %mul3A_805 = arith.muli %arg0, %mul3A_804 : i32
    %add3A_806 = vector.broadcast %mul3A_805 : i32 to vector<128x48xi32>
    %add3A_807 = arith.addi %convert_element_type3A_803, %add3A_806 : vector<128x48xi32>
    %swap3A = arith.constant 0 : index
    %swap3A_808 = arith.constant 0 : index
    %swap3A_809 = vector.load %arg6[%swap3A, %swap3A_808] : memref<128x48xi32, #tpu.memory_space<vmem>>, vector<128x48xi32>
    tpu.vector_store %arg6[%swap3A, %swap3A_808], %add3A_807 {strides = array<i32>} : memref<128x48xi32, #tpu.memory_space<vmem>>, vector<128x48xi32>,
    return
  }
  func.func @transform_0(%arg0: i32, %arg1: i32) -> (i32, i32) {
    %mul3A = arith.constant 8 : i32
    %mul3A_0 = arith.muli %arg0, %mul3A : i32
    %add3A = arith.addi %mul3A_0, %arg1 : i32
    %c0_i32 = arith.constant 0 : i32
    %c0_i32_1 = arith.constant 0 : i32
    return %add3A, %c0_i32 : i32, i32
  }
  func.func @transform_1(%arg0: i32, %arg1: i32) -> (i32, i32, i32) {
    %c0_i32 = arith.constant 0 : i32
    %c0_i32_0 = arith.constant 0 : i32
    %c0_i32_1 = arith.constant 0 : i32
    return %arg0, %c0_i32, %c0_i32_0 : i32, i32, i32
  }
  func.func @transform_2(%arg0: i32, %arg1: i32) -> (i32, i32) {
    %mul3A = arith.constant 8 : i32
    %mul3A_0 = arith.muli %arg0, %mul3A : i32
    %add3A = arith.addi %mul3A_0, %arg1 : i32
    %c0_i32 = arith.constant 0 : i32
    %c0_i32_1 = arith.constant 0 : i32
    return %add3A, %c0_i32 : i32, i32
  }
  func.func @transform_3(%arg0: i32, %arg1: i32) -> (i32, i32, i32) {
    %c0_i32 = arith.constant 0 : i32
    %c0_i32_0 = arith.constant 0 : i32
    %c0_i32_1 = arith.constant 0 : i32
    return %arg0, %c0_i32, %c0_i32_0 : i32, i32, i32
  }
  func.func @transform_4(%arg0: i32, %arg1: i32) -> (i32, i32) {
    %mul3A = arith.constant 8 : i32
    %mul3A_0 = arith.muli %arg0, %mul3A : i32
    %add3A = arith.addi %mul3A_0, %arg1 : i32
    %c0_i32 = arith.constant 0 : i32
    %c0_i32_1 = arith.constant 0 : i32
    return %add3A, %c0_i32 : i32, i32
  }
}

module attributes {stable_mosaic.version = 14 : i64} {
  func.func @_edge_kernel(%arg0: i32, %arg1: i32, %arg2: memref<768x16xf32, #tpu.memory_space<vmem>>, %arg3: memref<16x16xf32, #tpu.memory_space<vmem>>, %arg4: memref<66x16xf32, #tpu.memory_space<vmem>>, %arg5: memref<1x16xf32, #tpu.memory_space<vmem>>, %arg6: memref<16x75xf32, #tpu.memory_space<vmem>>, %arg7: memref<16x75xf32, #tpu.memory_space<vmem>>, %arg8: memref<75x25xf32, #tpu.memory_space<vmem>>, %arg9: memref<25x400xf32, #tpu.memory_space<vmem>>, %arg10: memref<1x400xf32, #tpu.memory_space<vmem>>, %arg11: memref<416x128xf32, #tpu.memory_space<vmem>>, %arg12: memref<1x128xf32, #tpu.memory_space<vmem>>, %arg13: memref<1x128xf32, #tpu.memory_space<vmem>>, %arg14: memref<768x128xf32, #tpu.memory_space<vmem>>) attributes {dimension_semantics = [#tpu.dimension_semantics<arbitrary>, #tpu.dimension_semantics<arbitrary>], iteration_bounds = array<i64: 4, 64>, scalar_prefetch = 0 : i64, scratch_operands = 0 : i64, tpu.core_type = #tpu.core_type<tc>, window_params = [{transform_indices = @transform_0, window_bounds = array<i64: 768, 16>}, {transform_indices = @transform_1, window_bounds = array<i64: 16, 16>}, {pipeline_mode = #tpu.pipeline_mode<synchronous>, transform_indices = @transform_2, window_bounds = array<i64: 66, 16>}, {pipeline_mode = #tpu.pipeline_mode<synchronous>, transform_indices = @transform_3, window_bounds = array<i64: 1, 16>}, {pipeline_mode = #tpu.pipeline_mode<synchronous>, transform_indices = @transform_4, window_bounds = array<i64: 16, 75>}, {pipeline_mode = #tpu.pipeline_mode<synchronous>, transform_indices = @transform_5, window_bounds = array<i64: 16, 75>}, {pipeline_mode = #tpu.pipeline_mode<synchronous>, transform_indices = @transform_6, window_bounds = array<i64: 75, 25>}, {pipeline_mode = #tpu.pipeline_mode<synchronous>, transform_indices = @transform_7, window_bounds = array<i64: 25, 400>}, {pipeline_mode = #tpu.pipeline_mode<synchronous>, transform_indices = @transform_8, window_bounds = array<i64: 1, 400>}, {pipeline_mode = #tpu.pipeline_mode<synchronous>, transform_indices = @transform_9, window_bounds = array<i64: 416, 128>}, {pipeline_mode = #tpu.pipeline_mode<synchronous>, transform_indices = @transform_10, window_bounds = array<i64: 1, 128>}, {pipeline_mode = #tpu.pipeline_mode<synchronous>, transform_indices = @transform_11, window_bounds = array<i64: 1, 128>}, {transform_indices = @transform_12, window_bounds = array<i64: 768, 128>}]} {
    %get3A = arith.constant 0 : index
    %get3A_0 = arith.constant 0 : index
    %get3A_1 = vector.load %arg2[%get3A, %get3A_0] : memref<768x16xf32, #tpu.memory_space<vmem>>, vector<768x16xf32>
    %iota3A = tpu.iota {dimensions = array<i32: 0>} : vector<768x16xi32>
    %iota3A_2 = tpu.iota {dimensions = array<i32: 1>} : vector<768x16xi32>
    %mul3A = arith.constant 48 : i32
    %mul3A_3 = vector.broadcast %mul3A : i32 to vector<768x16xi32>
    %mul3A_4 = arith.muli %iota3A_2, %mul3A_3 : vector<768x16xi32>
    %ge3A = arith.cmpi sge, %iota3A, %mul3A_4 : vector<768x16xi32>
    %add3A = arith.constant 48 : i32
    %add3A_5 = vector.broadcast %add3A : i32 to vector<768x16xi32>
    %add3A_6 = arith.addi %mul3A_4, %add3A_5 : vector<768x16xi32>
    %lt3A = arith.cmpi slt, %iota3A, %add3A_6 : vector<768x16xi32>
    %and3A = arith.andi %ge3A, %lt3A : vector<768x16xi1>
    %jit3A = arith.constant 1.000000e+00 : f32
    %jit3A_7 = arith.constant 0.000000e+00 : f32
    %broadcast_in_dim3A = vector.broadcast %jit3A : f32 to vector<768x16xf32>
    %broadcast_in_dim3A_8 = vector.broadcast %jit3A_7 : f32 to vector<768x16xf32>
    %select_n3A = arith.select %and3A, %broadcast_in_dim3A, %broadcast_in_dim3A_8 : vector<768x16xi1>, vector<768x16xf32>
    %get3A_9 = arith.constant 0 : index
    %get3A_10 = arith.constant 0 : index
    %get3A_11 = vector.load %arg3[%get3A_9, %get3A_10] : memref<16x16xf32, #tpu.memory_space<vmem>>, vector<16x16xf32>
    %dot_general3A = arith.constant dense<0.000000e+00> : vector<768x16xf32>
    %dot_general3A_12 = tpu.matmul %select_n3A, %get3A_11, %dot_general3A {dimension_numbers = #tpu.dot_dimension_numbers<[1], [0], [0], [1], [0, 0, 1, 1], [], []>, precision = #tpu.contract_precision<fp32>, transpose_lhs_hint = false} : vector<768x16xf32>, vector<16x16xf32>, vector<768x16xf32> -> vector<768x16xf32>
    %slice3A = vector.extract_strided_slice %dot_general3A_12 {offsets = [0, 15], sizes = [768, 1], strides = [1, 1]} : vector<768x16xf32> to vector<768x1xf32>
    %slice3A_13 = vector.extract_strided_slice %get3A_1 {offsets = [0, 15], sizes = [768, 1], strides = [1, 1]} : vector<768x16xf32> to vector<768x1xf32>
    %sub3A = arith.subf %slice3A, %slice3A_13 : vector<768x1xf32>
    %add3A_14 = arith.constant 3.200000e+01 : f32
    %add3A_15 = vector.broadcast %add3A_14 : f32 to vector<768x1xf32>
    %add3A_16 = arith.addf %sub3A, %add3A_15 : vector<768x1xf32>
    %jit3A_17 = arith.constant 0.000000e+00 : f32
    %jit3A_18 = arith.constant 6.400000e+01 : f32
    %max3A = vector.broadcast %jit3A_17 : f32 to vector<768x1xf32>
    %max3A_19 = arith.maximumf %max3A, %add3A_16 : vector<768x1xf32>
    %min3A = vector.broadcast %jit3A_18 : f32 to vector<768x1xf32>
    %min3A_20 = arith.minimumf %min3A, %max3A_19 : vector<768x1xf32>
    %iota3A_21 = tpu.iota {dimensions = array<i32: 1>} : vector<768x66xi32>
    %convert_element_type3A = arith.sitofp %iota3A_21 : vector<768x66xi32> to vector<768x66xf32>
    %sub3A_22 = arith.constant 5.000000e-01 : f32
    %sub3A_23 = vector.broadcast %sub3A_22 : f32 to vector<768x1xf32>
    %sub3A_24 = arith.subf %min3A_20, %sub3A_23 : vector<768x1xf32>
    %gt3A = vector.broadcast %sub3A_24 : vector<768x1xf32> to vector<768x66xf32>
    %gt3A_25 = arith.cmpf ogt, %convert_element_type3A, %gt3A : vector<768x66xf32>
    %add3A_26 = arith.constant 5.000000e-01 : f32
    %add3A_27 = vector.broadcast %add3A_26 : f32 to vector<768x1xf32>
    %add3A_28 = arith.addf %min3A_20, %add3A_27 : vector<768x1xf32>
    %lt3A_29 = vector.broadcast %add3A_28 : vector<768x1xf32> to vector<768x66xf32>
    %lt3A_30 = arith.cmpf olt, %convert_element_type3A, %lt3A_29 : vector<768x66xf32>
    %and3A_31 = arith.andi %gt3A_25, %lt3A_30 : vector<768x66xi1>
    %jit3A_32 = arith.constant 1.000000e+00 : f32
    %jit3A_33 = arith.constant 0.000000e+00 : f32
    %broadcast_in_dim3A_34 = vector.broadcast %jit3A_32 : f32 to vector<768x66xf32>
    %broadcast_in_dim3A_35 = vector.broadcast %jit3A_33 : f32 to vector<768x66xf32>
    %select_n3A_36 = arith.select %and3A_31, %broadcast_in_dim3A_34, %broadcast_in_dim3A_35 : vector<768x66xi1>, vector<768x66xf32>
    %get3A_37 = arith.constant 0 : index
    %get3A_38 = arith.constant 0 : index
    %get3A_39 = vector.load %arg4[%get3A_37, %get3A_38] : memref<66x16xf32, #tpu.memory_space<vmem>>, vector<66x16xf32>
    %dot_general3A_40 = arith.constant dense<0.000000e+00> : vector<768x16xf32>
    %dot_general3A_41 = tpu.matmul %select_n3A_36, %get3A_39, %dot_general3A_40 {dimension_numbers = #tpu.dot_dimension_numbers<[1], [0], [0], [1], [0, 0, 1, 1], [], []>, precision = #tpu.contract_precision<fp32>, transpose_lhs_hint = false} : vector<768x66xf32>, vector<66x16xf32>, vector<768x16xf32> -> vector<768x16xf32>
    %get3A_42 = arith.constant 0 : index
    %get3A_43 = arith.constant 0 : index
    %get3A_44 = vector.load %arg5[%get3A_42, %get3A_43] : memref<1x16xf32, #tpu.memory_space<vmem>>, vector<1x16xf32>
    %add3A_45 = vector.broadcast %get3A_44 : vector<1x16xf32> to vector<768x16xf32>
    %add3A_46 = arith.addf %dot_general3A_41, %add3A_45 : vector<768x16xf32>
    %get3A_47 = arith.constant 0 : index
    %get3A_48 = arith.constant 0 : index
    %get3A_49 = vector.load %arg6[%get3A_47, %get3A_48] : memref<16x75xf32, #tpu.memory_space<vmem>>, vector<16x75xf32>
    %dot_general3A_50 = arith.constant dense<0.000000e+00> : vector<768x75xf32>
    %dot_general3A_51 = tpu.matmul %dot_general3A_12, %get3A_49, %dot_general3A_50 {dimension_numbers = #tpu.dot_dimension_numbers<[1], [0], [0], [1], [0, 0, 1, 1], [], []>, precision = #tpu.contract_precision<fp32>, transpose_lhs_hint = false} : vector<768x16xf32>, vector<16x75xf32>, vector<768x75xf32> -> vector<768x75xf32>
    %get3A_52 = arith.constant 0 : index
    %get3A_53 = arith.constant 0 : index
    %get3A_54 = vector.load %arg7[%get3A_52, %get3A_53] : memref<16x75xf32, #tpu.memory_space<vmem>>, vector<16x75xf32>
    %dot_general3A_55 = arith.constant dense<0.000000e+00> : vector<768x75xf32>
    %dot_general3A_56 = tpu.matmul %get3A_1, %get3A_54, %dot_general3A_55 {dimension_numbers = #tpu.dot_dimension_numbers<[1], [0], [0], [1], [0, 0, 1, 1], [], []>, precision = #tpu.contract_precision<fp32>, transpose_lhs_hint = false} : vector<768x16xf32>, vector<16x75xf32>, vector<768x75xf32> -> vector<768x75xf32>
    %sub3A_57 = arith.subf %dot_general3A_51, %dot_general3A_56 : vector<768x75xf32>
    %mul3A_58 = arith.mulf %sub3A_57, %sub3A_57 : vector<768x75xf32>
    %get3A_59 = arith.constant 0 : index
    %get3A_60 = arith.constant 0 : index
    %get3A_61 = vector.load %arg8[%get3A_59, %get3A_60] : memref<75x25xf32, #tpu.memory_space<vmem>>, vector<75x25xf32>
    %dot_general3A_62 = arith.constant dense<0.000000e+00> : vector<768x25xf32>
    %dot_general3A_63 = tpu.matmul %mul3A_58, %get3A_61, %dot_general3A_62 {dimension_numbers = #tpu.dot_dimension_numbers<[1], [0], [0], [1], [0, 0, 1, 1], [], []>, precision = #tpu.contract_precision<fp32>, transpose_lhs_hint = false} : vector<768x75xf32>, vector<75x25xf32>, vector<768x25xf32> -> vector<768x25xf32>
    %add3A_64 = arith.constant 9.99999997E-7 : f32
    %add3A_65 = vector.broadcast %add3A_64 : f32 to vector<768x25xf32>
    %add3A_66 = arith.addf %dot_general3A_63, %add3A_65 : vector<768x25xf32>
    %sqrt3A = math.sqrt %add3A_66 : vector<768x25xf32>
    %get3A_67 = arith.constant 0 : index
    %get3A_68 = arith.constant 0 : index
    %get3A_69 = vector.load %arg9[%get3A_67, %get3A_68] : memref<25x400xf32, #tpu.memory_space<vmem>>, vector<25x400xf32>
    %dot_general3A_70 = arith.constant dense<0.000000e+00> : vector<768x400xf32>
    %dot_general3A_71 = tpu.matmul %sqrt3A, %get3A_69, %dot_general3A_70 {dimension_numbers = #tpu.dot_dimension_numbers<[1], [0], [0], [1], [0, 0, 1, 1], [], []>, precision = #tpu.contract_precision<fp32>, transpose_lhs_hint = false} : vector<768x25xf32>, vector<25x400xf32>, vector<768x400xf32> -> vector<768x400xf32>
    %get3A_72 = arith.constant 0 : index
    %get3A_73 = arith.constant 0 : index
    %get3A_74 = vector.load %arg10[%get3A_72, %get3A_73] : memref<1x400xf32, #tpu.memory_space<vmem>>, vector<1x400xf32>
    %sub3A_75 = vector.broadcast %get3A_74 : vector<1x400xf32> to vector<768x400xf32>
    %sub3A_76 = arith.subf %dot_general3A_71, %sub3A_75 : vector<768x400xf32>
    %div3A = arith.constant 1.250000e+00 : f32
    %div3A_77 = vector.broadcast %div3A : f32 to vector<768x400xf32>
    %div3A_78 = arith.divf %sub3A_76, %div3A_77 : vector<768x400xf32>
    %mul3A_79 = arith.mulf %div3A_78, %div3A_78 : vector<768x400xf32>
    %neg3A = arith.constant 0.000000e+00 : f32
    %neg3A_80 = vector.broadcast %neg3A : f32 to vector<768x400xf32>
    %neg3A_81 = arith.subf %neg3A_80, %mul3A_79 : vector<768x400xf32>
    %exp3A = math.exp %neg3A_81 : vector<768x400xf32>
    %concatenate3A = tpu.concatenate %add3A_46, %exp3A in 1 : vector<768x16xf32>, vector<768x400xf32> -> vector<768x416xf32>
    %get3A_82 = arith.constant 0 : index
    %get3A_83 = arith.constant 0 : index
    %get3A_84 = vector.load %arg11[%get3A_82, %get3A_83] : memref<416x128xf32, #tpu.memory_space<vmem>>, vector<416x128xf32>
    %dot_general3A_85 = arith.constant dense<0.000000e+00> : vector<768x128xf32>
    %dot_general3A_86 = tpu.matmul %concatenate3A, %get3A_84, %dot_general3A_85 {dimension_numbers = #tpu.dot_dimension_numbers<[1], [0], [0], [1], [0, 0, 1, 1], [], []>, transpose_lhs_hint = false} : vector<768x416xf32>, vector<416x128xf32>, vector<768x128xf32> -> vector<768x128xf32>
    %reduce_sum3A = arith.constant dense<0.000000e+00> : vector<768xf32>
    %reduce_sum3A_87 = vector.multi_reduction <add>, %dot_general3A_86, %reduce_sum3A [1] : vector<768x128xf32> to vector<768xf32>
    %broadcast_in_dim3A_88 = vector.shape_cast %reduce_sum3A_87 : vector<768xf32> to vector<768x1xf32>
    %div3A_89 = arith.constant 1.280000e+02 : f32
    %div3A_90 = vector.broadcast %div3A_89 : f32 to vector<768x1xf32>
    %div3A_91 = arith.divf %broadcast_in_dim3A_88, %div3A_90 : vector<768x1xf32>
    %sub3A_92 = vector.broadcast %div3A_91 : vector<768x1xf32> to vector<768x128xf32>
    %sub3A_93 = arith.subf %dot_general3A_86, %sub3A_92 : vector<768x128xf32>
    %integer_pow3A = arith.mulf %sub3A_93, %sub3A_93 : vector<768x128xf32>
    %reduce_sum3A_94 = arith.constant dense<0.000000e+00> : vector<768xf32>
    %reduce_sum3A_95 = vector.multi_reduction <add>, %integer_pow3A, %reduce_sum3A_94 [1] : vector<768x128xf32> to vector<768xf32>
    %broadcast_in_dim3A_96 = vector.shape_cast %reduce_sum3A_95 : vector<768xf32> to vector<768x1xf32>
    %div3A_97 = arith.constant 1.280000e+02 : f32
    %div3A_98 = vector.broadcast %div3A_97 : f32 to vector<768x1xf32>
    %div3A_99 = arith.divf %broadcast_in_dim3A_96, %div3A_98 : vector<768x1xf32>
    %sub3A_100 = vector.broadcast %div3A_91 : vector<768x1xf32> to vector<768x128xf32>
    %sub3A_101 = arith.subf %dot_general3A_86, %sub3A_100 : vector<768x128xf32>
    %add3A_102 = arith.constant 9.99999974E-6 : f32
    %add3A_103 = vector.broadcast %add3A_102 : f32 to vector<768x1xf32>
    %add3A_104 = arith.addf %div3A_99, %add3A_103 : vector<768x1xf32>
    %sqrt3A_105 = math.sqrt %add3A_104 : vector<768x1xf32>
    %div3A_106 = vector.broadcast %sqrt3A_105 : vector<768x1xf32> to vector<768x128xf32>
    %div3A_107 = arith.divf %sub3A_101, %div3A_106 : vector<768x128xf32>
    %get3A_108 = arith.constant 0 : index
    %get3A_109 = arith.constant 0 : index
    %get3A_110 = vector.load %arg12[%get3A_108, %get3A_109] : memref<1x128xf32, #tpu.memory_space<vmem>>, vector<1x128xf32>
    %mul3A_111 = vector.broadcast %get3A_110 : vector<1x128xf32> to vector<768x128xf32>
    %mul3A_112 = arith.mulf %div3A_107, %mul3A_111 : vector<768x128xf32>
    %get3A_113 = arith.constant 0 : index
    %get3A_114 = arith.constant 0 : index
    %get3A_115 = vector.load %arg13[%get3A_113, %get3A_114] : memref<1x128xf32, #tpu.memory_space<vmem>>, vector<1x128xf32>
    %add3A_116 = vector.broadcast %get3A_115 : vector<1x128xf32> to vector<768x128xf32>
    %add3A_117 = arith.addf %mul3A_112, %add3A_116 : vector<768x128xf32>
    %swap3A = arith.constant 0 : index
    %swap3A_118 = arith.constant 0 : index
    %swap3A_119 = vector.load %arg14[%swap3A, %swap3A_118] : memref<768x128xf32, #tpu.memory_space<vmem>>, vector<768x128xf32>
    tpu.vector_store %arg14[%swap3A, %swap3A_118], %add3A_117 {strides = array<i32>} : memref<768x128xf32, #tpu.memory_space<vmem>>, vector<768x128xf32>,
    return
  }
  func.func @transform_0(%arg0: i32, %arg1: i32) -> (i32, i32) {
    %mul3A = arith.constant 64 : i32
    %mul3A_0 = arith.muli %arg0, %mul3A : i32
    %add3A = arith.addi %mul3A_0, %arg1 : i32
    %c0_i32 = arith.constant 0 : i32
    %c0_i32_1 = arith.constant 0 : i32
    return %add3A, %c0_i32 : i32, i32
  }
  func.func @transform_1(%arg0: i32, %arg1: i32) -> (i32, i32) {
    %mul3A = arith.constant 64 : i32
    %mul3A_0 = arith.muli %arg0, %mul3A : i32
    %add3A = arith.addi %mul3A_0, %arg1 : i32
    %c0_i32 = arith.constant 0 : i32
    %c0_i32_1 = arith.constant 0 : i32
    return %add3A, %c0_i32 : i32, i32
  }
  func.func @transform_2(%arg0: i32, %arg1: i32) -> (i32, i32) {
    %c0_i32 = arith.constant 0 : i32
    %c0_i32_0 = arith.constant 0 : i32
    %c0_i32_1 = arith.constant 0 : i32
    return %c0_i32, %c0_i32_0 : i32, i32
  }
  func.func @transform_3(%arg0: i32, %arg1: i32) -> (i32, i32) {
    %c0_i32 = arith.constant 0 : i32
    %c0_i32_0 = arith.constant 0 : i32
    %c0_i32_1 = arith.constant 0 : i32
    return %c0_i32, %c0_i32_0 : i32, i32
  }
  func.func @transform_4(%arg0: i32, %arg1: i32) -> (i32, i32) {
    %c0_i32 = arith.constant 0 : i32
    %c0_i32_0 = arith.constant 0 : i32
    %c0_i32_1 = arith.constant 0 : i32
    return %c0_i32, %c0_i32_0 : i32, i32
  }
  func.func @transform_5(%arg0: i32, %arg1: i32) -> (i32, i32) {
    %c0_i32 = arith.constant 0 : i32
    %c0_i32_0 = arith.constant 0 : i32
    %c0_i32_1 = arith.constant 0 : i32
    return %c0_i32, %c0_i32_0 : i32, i32
  }
  func.func @transform_6(%arg0: i32, %arg1: i32) -> (i32, i32) {
    %c0_i32 = arith.constant 0 : i32
    %c0_i32_0 = arith.constant 0 : i32
    %c0_i32_1 = arith.constant 0 : i32
    return %c0_i32, %c0_i32_0 : i32, i32
  }
  func.func @transform_7(%arg0: i32, %arg1: i32) -> (i32, i32) {
    %c0_i32 = arith.constant 0 : i32
    %c0_i32_0 = arith.constant 0 : i32
    %c0_i32_1 = arith.constant 0 : i32
    return %c0_i32, %c0_i32_0 : i32, i32
  }
  func.func @transform_8(%arg0: i32, %arg1: i32) -> (i32, i32) {
    %c0_i32 = arith.constant 0 : i32
    %c0_i32_0 = arith.constant 0 : i32
    %c0_i32_1 = arith.constant 0 : i32
    return %c0_i32, %c0_i32_0 : i32, i32
  }
  func.func @transform_9(%arg0: i32, %arg1: i32) -> (i32, i32) {
    %c0_i32 = arith.constant 0 : i32
    %c0_i32_0 = arith.constant 0 : i32
    %c0_i32_1 = arith.constant 0 : i32
    return %c0_i32, %c0_i32_0 : i32, i32
  }
  func.func @transform_10(%arg0: i32, %arg1: i32) -> (i32, i32) {
    %c0_i32 = arith.constant 0 : i32
    %c0_i32_0 = arith.constant 0 : i32
    %c0_i32_1 = arith.constant 0 : i32
    return %c0_i32, %c0_i32_0 : i32, i32
  }
  func.func @transform_11(%arg0: i32, %arg1: i32) -> (i32, i32) {
    %c0_i32 = arith.constant 0 : i32
    %c0_i32_0 = arith.constant 0 : i32
    %c0_i32_1 = arith.constant 0 : i32
    return %c0_i32, %c0_i32_0 : i32, i32
  }
  func.func @transform_12(%arg0: i32, %arg1: i32) -> (i32, i32) {
    %mul3A = arith.constant 64 : i32
    %mul3A_0 = arith.muli %arg0, %mul3A : i32
    %add3A = arith.addi %mul3A_0, %arg1 : i32
    %c0_i32 = arith.constant 0 : i32
    %c0_i32_1 = arith.constant 0 : i32
    return %add3A, %c0_i32 : i32, i32
  }
}

</mosaic_0001>

<sc_bundles>
// kernel: kernel.6.cloned.1.call-start
scs
__scs_entry_jumppad:
0x0: {  	(pc) =	sbr.rel $0x88, $3  }
0x1: {  	(tag) =	ssettag $0x0;
	lr =	simm.s32 $0x1  }
0x2: {  	[smem:$0x3F99] =	sst lr;
	_ =	strace $0xD0000000  }
0x3: {  	_ = 	snop  }
0x4: {  	_ = 	snop  }
0x5: {  	_ = 	snop  }
0x6: {  	_ = 	snop  }
0x7: {  	_ = 	snop  }
__scs_overlays_trampoline_lowered:
0x8: {  	[smem:$0x3FA8] =	sst s0  }
0x9: {  	[smem:$0x3FA9] =	sst s1  }
0xa: {  	[smem:$0x3FAA] =	sst s2  }
0xb: {  	[smem:$0x3FAB] =	sst s3  }
0xc: {  	[smem:$0x3FAC] =	sst s4  }
0xd: {  	[smem:$0x3FAD] =	sst s5  }
0xe: {  	[smem:$0x3FAE] =	sst s6  }
0xf: {  	[smem:$0x3FAF] =	sst s7  }
0x10: {  	[smem:$0x3FB0] =	sst s8  }
0x11: {  	[smem:$0x3FB1] =	sst s9;
	s0 =	simm.s32 @!p0 $0x0  }
0x12: {  	s1 =	sld [smem:$0x3F97];
	s0 =	simm.s32 @p0 $0x1  }
0x13: {  	[smem:$0x3FB2] =	sst s0;
	s0 =	simm.s32 @!p1 $0x0  }
0x14: {  	s2 =	sld [smem:$0x3F96];
	s0 =	simm.s32 @p1 $0x1  }
0x15: {  	[smem:$0x3FB3] =	sst s0;
	s0 =	simm.s32 @!p2 $0x0  }
0x16: {  	s3 =	sld [smem:$0x3FDB];
	s0 =	simm.s32 @p2 $0x1  }
0x17: {  	s4 =	simm.s32 $0x1BF5;
	[smem:$0x3FB5] =	sst s0  }
0x18: {  	s0 =	sld [smem:$0x3F98];
	_ =	swait.ge [sflag:s4], $0x0  }
0x19: {  	s7 =	sld [smem:$0x3F99]  }
0x1a: {  	s8 =	sadd.s32 $0xFFFFE003, lr  }
0x1b: {  	s9 =	sadd.s32 $0xFFFFFEF7, lr;
	s5 =	simm.s32 $0xFFFFFFFF;
	p2 =	slt.u32 s8, $0xFFFFF086  }
0x1c: {  	p1 =	slt.u32 s9, $0xF7A;
	s5 =	simm.s32 @!p2 $0x0  }
0x1d: {  	s5 =	simm.s32 @p1 $0x1;
	p0 =	seq.s32 s7, s2  }
0x1e: {  	s7 =	smul.u32 @!p0 $0xF7A, s2;
	p2 =	seq.s32 @!p0 s5, $0x0  }
0x1f: {  	s9 =	smul.u32 $0xF7A, s1;
	s8 =	simm.s32 @!p0 $0x1BF5;
	p2 =	por !p2, p0  }
0x20: {  	[sflag:s8] =	ssyncset.s32 @!p0 $0xFFFFF086;
	s6 =	sadd.s32 @!p0 s3, s7;
	s7 =	simm.s32 @!p0 $0x108  }
0x21: {  	s3 =	sadd.s32 s3, s9;
	s6 =	sadd.s32 @!p0 $0x88, s6;
	s7 =	simm.s32 @p2 $0x1082  }
0x22: {  	[simem:s7], [sflag:s8] =	dma.local @!p0 [hbm:s6], $0xF7A  }
0x23: {  	s9 =	sor.u32 $0xD0000000, s2;
	s6 =	simm.s32 $0x108;
	_ =	swait.ge @!p0 [sflag:s8], $0x0  }
0x24: {  	s3 =	sadd.s32 $0x88, s3;
	s6 =	simm.s32 @!p1 $0x1082;
	[sflag:s4] =	ssyncset.s32 $0xFFFFF086  }
0x25: {  	[simem:s6], [sflag:s4] =	dma.local [hbm:s3], $0xF7A  }
0x26: {  	[smem:$0x3F99] =	sst s1;
	(tag) =	ssettag s2;
	_ =	strace s9  }
0x27: {  	s1 =	sld [smem:$0x3FA9]  }
0x28: {  	s2 =	sld [smem:$0x3FAA]  }
0x29: {  	s4 =	sld [smem:$0x3FAC]  }
0x2a: {  	p0 =	seq.s32 s5, $0x0;
	s5 =	sld [smem:$0x3FAD]  }
0x2b: {  	s6 =	sld [smem:$0x3FAE]  }
0x2c: {  	s7 =	sld [smem:$0x3FAF]  }
0x2d: {  	s3 =	simm.s32 $0x108;
	s8 =	sld [smem:$0x3FB0]  }
0x2e: {  	s3 =	simm.s32 @!p0 $0x1082;
	s9 =	sld [smem:$0x3FB1]  }
0x2f: {  	lr =	sadd.s32 s0, s3;
	s0 =	sld [smem:$0x3FA8]  }
0x30: {  	s3 =	sld [smem:$0x3FAB]  }
0x31: {  	[smem:$0x3FB4] =	sst s10  }
0x32: {  	s10 =	sld [smem:$0x3FB2];
	_ =	sdelay $0x3  }
0x33: {  	p0 =	seq.s32 s10, $0x1;
	s10 =	sld [smem:$0x3FB4];
	_ =	sdelay $0x3  }
0x34: {  	[smem:$0x3FB4] =	sst s10  }
0x35: {  	s10 =	sld [smem:$0x3FB3];
	_ =	sdelay $0x3  }
0x36: {  	p1 =	seq.s32 s10, $0x1;
	s10 =	sld [smem:$0x3FB4];
	_ =	sdelay $0x3  }
0x37: {  	[smem:$0x3FB4] =	sst s10  }
0x38: {  	s10 =	sld [smem:$0x3FB5]  }
0x39: {  	_ = 	snop;
	(pc) =	sbr.ind lr, $3  }
0x3a: {  	_ = 	snop  }
0x3b: {  	_ = 	snop  }
0x3c: {  	p2 =	seq.s32 s10, $0x1;
	s10 =	sld [smem:$0x3FB4]  }
0x3d: {  	_ =	shalt  }
0x3e: {  	_ =	shalt  }
0x3f: {  	_ =	shalt  }
0x40: {  	_ =	shalt  }
0x41: {  	_ =	shalt  }
0x42: {  	_ =	shalt  }
0x43: {  	_ =	shalt  }
0x44: {  	_ =	shalt  }
0x45: {  	_ =	shalt  }
0x46: {  	_ =	shalt  }
0x47: {  	_ =	shalt  }
0x48: {  	_ =	shalt  }
0x49: {  	_ =	shalt  }
0x4a: {  	_ =	shalt  }
0x4b: {  	_ =	shalt  }
0x4c: {  	_ =	shalt  }
0x4d: {  	_ =	shalt  }
0x4e: {  	_ =	shalt  }
0x4f: {  	_ =	shalt  }
0x50: {  	_ =	shalt  }
0x51: {  	_ =	shalt  }
0x52: {  	_ =	shalt  }
0x53: {  	_ =	shalt  }
0x54: {  	_ =	shalt  }
0x55: {  	_ =	shalt  }
0x56: {  	_ =	shalt  }
0x57: {  	_ =	shalt  }
0x58: {  	_ =	shalt  }
0x59: {  	_ =	shalt  }
0x5a: {  	_ =	shalt  }
0x5b: {  	_ =	shalt  }
0x5c: {  	_ =	shalt  }
0x5d: {  	_ =	shalt  }
0x5e: {  	_ =	shalt  }
0x5f: {  	_ =	shalt  }
0x60: {  	_ =	shalt  }
0x61: {  	_ =	shalt  }
0x62: {  	_ =	shalt  }
0x63: {  	_ =	shalt  }
0x64: {  	_ =	shalt  }
0x65: {  	_ =	shalt  }
0x66: {  	_ =	shalt  }
0x67: {  	_ =	shalt  }
0x68: {  	_ =	shalt  }
0x69: {  	_ =	shalt  }
0x6a: {  	_ =	shalt  }
0x6b: {  	_ =	shalt  }
0x6c: {  	_ =	shalt  }
0x6d: {  	_ =	shalt  }
0x6e: {  	_ =	shalt  }
0x6f: {  	_ =	shalt  }
0x70: {  	_ =	shalt  }
0x71: {  	_ =	shalt  }
0x72: {  	_ =	shalt  }
0x73: {  	_ =	shalt  }
0x74: {  	_ =	shalt  }
0x75: {  	_ =	shalt  }
0x76: {  	_ =	shalt  }
0x77: {  	_ =	shalt  }
0x78: {  	_ =	shalt  }
0x79: {  	_ =	shalt  }
0x7a: {  	_ =	shalt  }
0x7b: {  	_ =	shalt  }
0x7c: {  	_ =	shalt  }
0x7d: {  	_ =	shalt  }
0x7e: {  	_ =	shalt  }
0x7f: {  	_ =	shalt  }
0x80: {  	_ =	shalt  }
0x81: {  	_ =	shalt  }
0x82: {  	_ =	shalt  }
0x83: {  	_ =	shalt  }
0x84: {  	_ =	shalt  }
0x85: {  	_ =	shalt  }
0x86: {  	_ =	shalt  }
0x87: {  	_ =	shalt  }
.Lfunc_end0:
.L_simem_size_0:
called_computation_lowered:
.L_overlay_start_0:
0x88: {  	s2 =	sld [smem:$0x3FD9]  }
0x89: {  	s3 =	sld [smem:$0x3FFE];
	_ =	sdelay $0x1  }
0x8a: {  	s1 =	srdreg.scid  }
0x8b: {  	s0 =	sand.u32 $0x1, s1  }
0x8c: {  	s17 =	sshll.u32 s0, $0xA;
	s2 =	sadd.s32 s3, s2  }
0x8d: {  	s2 =	sadd.s32 s2, s17  }
0x8e: {  	[smem:$0x3FC0] =	sst s2  }
0x8f: {  	_ = 	snop  }
0x90: {  	s2 =	sld [smem:$0x3FD0];
	(tm) =	ssettm $0x1  }
0x91: {  	s18 =	sld [smem:$0x3FFB];
	_ =	sdelay $0x3  }
0x92: {  	_ =	strace s18  }
0x93: {  	s3 =	sld [smem:$0x3FFC];
	_ =	sdelay $0x3  }
0x94: {  	_ =	strace s3  }
0x95: {  	s3 =	sld [smem:$0x3FFD];
	_ =	sdelay $0x3  }
0x96: {  	_ =	strace s3  }
0x97: {  	_ =	strace $0x8FFFFFFF  }
0x98: {  	s19 =	sld [smem:$0x3FDB];
	_ =	sdelay $0x1  }
0x99: {  	s4 =	simm.s32 $_scs_section_size  }
0x9a: {  	s5 =	simm.s32 $_size__tile_overlayer_lowered;
	s6 =	simm.s32 $_tile_overlayer_lowered  }
0x9b: {  	s22 =	simm.s32 $0x1BFF;
	s21 =	sshll.u32 s6, $0x1;
	s3 =	sadd.s32 s4, s19  }
0x9c: {  	s7 =	simm.s32 $0x0;
	s20 =	sshll.u32 s5, $0x1;
	s5 =	sadd.s32 s21, s3  }
0x9d: {  	[timem:s7], [sflag:s22] =	dma.local [hbm:s5], s20  }
0x9e: {  	_ =	swait.ge [sflag:s22], s20  }
0x9f: {  	s4 =	ssub.s32 $0x0, s20;
	[sflag:s22] =	ssyncset.done $0x0  }
0xa0: {  	[sflag:s22] =	ssyncadd.s32 s4;
	_ =	sdelay $0x1  }
0xa1: {  	s23 =	simm.s32 $0x1B8B  }
0xa2: {  	_ =	swait.ge [sflag:s23], $0x1  }
0xa3: {  	[sflag:s23] =	ssyncset.done $0x0  }
0xa4: {  	s25 =	simm.s32 $0x1B8E;
	s24 =	sld [smem:$0x3FFE];
	[sflag:s23] =	ssyncadd.s32 $0xFFFFFFFF  }
0xa5: {  	s26 =	simm.s32 $execute0_lowered;
	[smem:$0x3FD2] =	sst s25  }
0xa6: {  	s5 =	sshll.u32 s26, $0x1;
	_ =	strace $0x80000046;
	[dreg:$0x1] =	wrdreg $0xFFFFFFFF  }
0xa7: {  	s28 =	simm.s32 $_size_execute0_lowered;
	s3 =	sadd.s32 s3, s5;
	[dreg:$0x0] =	wrdreg $0x0  }
0xa8: {  	s5 =	sshll.u32 s28, $0x1;
	[dreg:$0x2] =	wrdreg s3  }
0xa9: {  	[dreg:$0x3] =	wrdreg s5  }
0xaa: {  	[dreg:$0x4] =	wrdreg $0xC0  }
0xab: {  	_ =	task [dreg:s7], $0x5FFFF  }
0xac: {  	[dreg:$0x1] =	wrdreg $0xFFFFFFFF  }
0xad: {  	[dreg:$0x0] =	wrdreg $0x60  }
0xae: {  	[dreg:$0x2] =	wrdreg s24  }
0xaf: {  	[dreg:$0x3] =	wrdreg s2  }
0xb0: {  	[dreg:$0x4] =	wrdreg $0x9  }
0xb1: {  	_ =	task.clear_ibuf [dreg:s7], $0x5FFFF;
	_ =	strace $0x90000046  }
0xb2: {  	s29 =	simm.s32 $0x9;
	_ =	strace $0x80000048  }
0xb3: {  	_ =	swait.ge [sflag:s29], $0x1  }
0xb4: {  	[sflag:s29] =	ssyncadd.s32 $0xFFFFFFFF  }
0xb5: {  	_ =	strace $0x90000048  }
0xb6: {  	_ =	sfence  }
0xb7: {  	s30 =	sld [smem:$0x0];
	_ =	sdelay $0x2  }
0xb8: {  	s31 =	sshll.u32 s1, $0xD;
	s1 =	sshrl.u32 s1, $0x2  }
0xb9: {  	s3 =	sand.u32 $0x4000, s31;
	s1 =	sadd.s32 s1, s30  }
0xba: {  	s0 =	sor.u32 s3, s0;
	s1 =	sshll.u32 s1, $0x11  }
0xbb: {  	s0 =	sor.u32 s1, s0  }
0xbc: {  	s0 =	sadd.s32 $0x8F2B, s0  }
0xbd: {  	[sflag:s0] =	ssyncadd.remote.s32 $0x1  }
0xbe: {  	_ =	sfence.sel $0xFFFF  }
0xbf: {  	[dreg:$0x0] =	wrdreg $0xFFFFFFFF;
	(pc) =	sbr.abs _section_cstart, $3  }
0xc0: {  	[dreg:$0x1] =	wrdreg $0xFFFFFFFF  }
0xc1: {  	_ =	task.clear_ibuf [dreg:s7], $0x2FFFF;
	_ =	strace $0x9FFFFFFF  }
0xc2: {  	(tm) =	ssettm $0x7FFFFFFF  }
0xc3: {  	_ =	shalt  }
tec
execute0_lowered:
.L_overlay_start_1:
0x0: {  	(tag) =	ssettag $0x1  }
0x1: {  	s1 =	srdreg.scid;
	s0 =	stileid.u32  }
0x2: {  	s6 =	sand.u32 $0x1, s1;
	s30 =	sshll.u32 s0, $0x1  }
0x3: {  	s5 =	rddreg [dreg:$0x0];
	s8 =	sor.u32 s6, s30  }
0x4: {  	s9 =	rddreg [dreg:$0x1];
	s2 =	simm.s32 $0x0;
	s3 =	smul.u32 $0x300, s8  }
0x5: {  	[smem:$0x7FF] =	sst s2  }
0x6: {  	s1 =	rddreg [dreg:$0x2];
	_ =	strace $0x80000047;
	s3 =	sadd.s32 s3, s5  }
0x7: {  	s10 =	ssub.s32 $0x2, s6;
	s4 =	sadd.s32 $0x3600, s3;
	s3 =	simm.s32 $0x2  }
0x8: {  	[tilespmem:s2], [sflag:$0x2] =	stream.linear.gather [hbm4b:s4+s2], $0x1800, $0x38;
	[tilespmem:$0x19800] =	vst v63  }
0x9: {  	s7 =	simm.s32 $0x1;
	s11 =	sshrl.u32 s10, $0x1;
	_ =	swait.ge [sflag:s3], $0x1800  }
0xa: {  	s6 =	simm.s32 $0x1800;
	s10 =	ssub.s32 s10, s11;
	[sflag:s3] =	ssyncset.done $0x0  }
0xb: {  	s5 =	sadd.s32 $0x1600, s5;
	s31 =	smax.u32 s10, $0x1;
	[sflag:s3] =	ssyncadd.s32 $0xFFFFE800  }
0xc: {  	[tilespmem:s6], [sflag:$0x1] =	stream.indirect.gather [hbm4b:s5+s6], $0x10, s2, s6, $0xb8;
	[tilespmem:$0x19800] =	vst v63  }
0xd: {  	s8 =	smul.u32 $0x3000, s8;
	p0 =	sne.s32 s31, $0x1;
	_ =	swait.ge [sflag:s7], $0x18000  }
.Ltmp0:
0xe: {  	[sflag:s7] =	ssyncset.done $0x0;
	(pc) =	sbr.rel @!p0 .LBB2_2-.Ltmp0, $4  }
0xf: {  	s8 =	sadd.s32 s9, s8;
	[sflag:s7] =	ssyncadd.s32 $0xFFFE8000  }
0x10: {  	[hbm4b:s8+s2] =	stream.linear.scatter [tilespmem:s6], [sflag:$0x2], $0x18000, $0x38;
	[tilespmem:$0x19800] =	vst v63  }
0x11: {  	_ =	swait.ge [sflag:s3], $0x18000  }
0x12: {  	s9 =	sadd.s32 $0xFFFFFFFF, s31;
	[sflag:s3] =	ssyncset.done $0x0  }
.LBB2_1:
0x13: {  	p0 =	sne.s32 s9, $0x1;
	s9 =	sadd.s32 $0xFFFFFFFF, s9;
	[sflag:s3] =	ssyncadd.s32 $0xFFFE8000  }
0x14: {  	[tilespmem:s2], [sflag:$0x2] =	stream.linear.gather [hbm4b:s4+s2], $0x1800, $0x38;
	[tilespmem:$0x19800] =	vst v63  }
0x15: {  	_ =	swait.ge [sflag:s3], $0x1800  }
0x16: {  	[sflag:s3] =	ssyncset.done $0x0  }
0x17: {  	[sflag:s3] =	ssyncadd.s32 $0xFFFFE800  }
0x18: {  	[tilespmem:s6], [sflag:$0x1] =	stream.indirect.gather [hbm4b:s5+s6], $0x10, s2, s6, $0xb8;
	[tilespmem:$0x19800] =	vst v63  }
0x19: {  	_ =	swait.ge [sflag:s7], $0x18000  }
.Ltmp1:
0x1a: {  	[sflag:s7] =	ssyncset.done $0x0;
	(pc) =	sbr.rel @p0 .LBB2_1-.Ltmp1, $4  }
0x1b: {  	[sflag:s7] =	ssyncadd.s32 $0xFFFE8000  }
0x1c: {  	[hbm4b:s8+s2] =	stream.linear.scatter [tilespmem:s6], [sflag:$0x2], $0x18000, $0x38;
	[tilespmem:$0x19800] =	vst v63  }
0x1d: {  	_ =	swait.ge [sflag:s3], $0x18000  }
0x1e: {  	[sflag:s3] =	ssyncset.done $0x0  }
.LBB2_2:
0x1f: {  	[sflag:s3] =	ssyncadd.s32 $0xFFFE8000  }
0x20: {  	_ =	sfence.sel $0x180000  }
0x21: {  	[bflag:$0x0] =	sbarrier.arrive $0xFFFF  }
0x22: {  	p0 =	sne.s32 s0, $0x0;
	_ =	strace $0x90000047  }
0x23: {  	s0 =	sadd.s32 @!p0 $0x100000, s1;
	[bflag:$0x2] =	sbarrier.arrive $0xFFFF  }
0x24: {  	[sflag:s0] =	ssyncadd.tile.s32 @!p0 $0x1;
	_ =	shalt  }
.Lfunc_end2:
_tile_overlayer_lowered:
.L_overlay_start_2:
0x25: {  	(tag) =	ssettag $0x2  }
0x26: {  	s0 =	rddreg [dreg:$0x0];
	s2 =	stileid.u32  }
0x27: {  	s1 =	rddreg [dreg:$0x1];
	p0 =	sne.s32 s2, $0x0  }
0x28: {  	s3 =	rddreg [dreg:$0x2];
	[bflag:$0x3] =	sbarrier.arrive $0xFFFF;
	s2 =	simm.s32 @!p0 $0x1C02  }
0x29: {  	[timem:s3], [sflag:s2] =	dma.local @!p0 [hbm:s0], s1  }
0x2a: {  	s0 =	simm.s32 @!p0 $0x2  }
0x2b: {  	_ =	swait.ge @!p0 [sflag:s0], s1  }
0x2c: {  	s1 =	ssub.s32 @!p0 $0x0, s1;
	[sflag:s0] =	ssyncset.done @!p0 $0x0  }
0x2d: {  	[sflag:s0] =	ssyncadd.s32 @!p0 s1  }
0x2e: {  	[bflag:$0x3] =	sbarrier.arrive $0xFFFF  }
0x2f: {  	_ =	shalt  }

</sc_bundles>
